<compile_context>
chip_gen: v7x
topology: tpu7x:2x2x1
jax: 0.10.2.dev20260603
libtpu: 0.0.44.dev20260713+nightly
codegen_flags: <defaults>
</compile_context>

<pallas_src>
import jax
import jax.numpy as jnp
from jax import lax
from jax.experimental import pallas as pl
from jax.experimental.pallas import tpu as pltpu
from jax.experimental.pallas import tpu_sc as plsc

B = 16384
D = 64
NNEG = 20
NC = 2
NS = 16
LANES = 16
NW = NC * NS
PW = B // NW
GB = LANES
NG = PW // GB
GROWS = GB * NNEG
IDX_CHUNK = 128


def _sc_scores_body(u_emb, v_emb, pos_u, pos_v, neg_flat, out,
                    posu_v, posv_v, negi_v, u_rows, v_rows, nbuf0, nbuf1,
                    scores_v, sem_uv, sem_n0, sem_n1):
    wid = lax.axis_index("s") * NC + lax.axis_index("c")
    base = wid * PW

    pltpu.sync_copy(pos_u.at[pl.ds(base, PW)], posu_v)
    pltpu.sync_copy(pos_v.at[pl.ds(base, PW)], posv_v)
    pltpu.sync_copy(neg_flat.at[pl.ds(base * NNEG, PW * NNEG)], negi_v)

    for c in range(PW // IDX_CHUNK):
        s = pl.ds(c * IDX_CHUNK, IDX_CHUNK)
        pltpu.async_copy(u_emb.at[posu_v.at[s]], u_rows.at[s], sem_uv)
        pltpu.async_copy(v_emb.at[posv_v.at[s]], v_rows.at[s], sem_uv)
    for c in range(PW // IDX_CHUNK):
        s = pl.ds(c * IDX_CHUNK, IDX_CHUNK)
        pltpu.make_async_copy(u_emb.at[posu_v.at[s]], u_rows.at[s], sem_uv).wait()
        pltpu.make_async_copy(v_emb.at[posv_v.at[s]], v_rows.at[s], sem_uv).wait()

    def issue(g, buf, sem):
        off = g * GROWS
        pltpu.async_copy(v_emb.at[negi_v.at[pl.ds(off, IDX_CHUNK)]],
                         buf.at[pl.ds(0, IDX_CHUNK)], sem)
        pltpu.async_copy(v_emb.at[negi_v.at[pl.ds(off + IDX_CHUNK, IDX_CHUNK)]],
                         buf.at[pl.ds(IDX_CHUNK, IDX_CHUNK)], sem)
        pltpu.async_copy(v_emb.at[negi_v.at[pl.ds(off + 2 * IDX_CHUNK, GROWS - 2 * IDX_CHUNK)]],
                         buf.at[pl.ds(2 * IDX_CHUNK, GROWS - 2 * IDX_CHUNK)], sem)

    def drain(g, buf, sem):
        off = g * GROWS
        pltpu.make_async_copy(v_emb.at[negi_v.at[pl.ds(off, IDX_CHUNK)]],
                              buf.at[pl.ds(0, IDX_CHUNK)], sem).wait()
        pltpu.make_async_copy(v_emb.at[negi_v.at[pl.ds(off + IDX_CHUNK, IDX_CHUNK)]],
                              buf.at[pl.ds(IDX_CHUNK, IDX_CHUNK)], sem).wait()
        pltpu.make_async_copy(v_emb.at[negi_v.at[pl.ds(off + 2 * IDX_CHUNK, GROWS - 2 * IDX_CHUNK)]],
                              buf.at[pl.ds(2 * IDX_CHUNK, GROWS - 2 * IDX_CHUNK)], sem).wait()

    liota = lax.iota(jnp.int32, LANES)
    l20 = liota * NNEG

    def compute(g, buf):
        rrow = liota + g * GB

        def jbody(j, carry):
            accp, accn = carry
            colj = jnp.bitwise_and(liota + j, D - 1)
            ucol = plsc.load_gather(u_rows, [rrow, colj])
            vcol = plsc.load_gather(v_rows, [rrow, colj])
            accp = accp + ucol * vcol
            accn = tuple(
                accn[n] + ucol * plsc.load_gather(buf, [l20 + n, colj])
                for n in range(NNEG))
            return accp, accn

        zero = jnp.zeros((LANES,), jnp.float32)
        accp, accn = lax.fori_loop(0, D, jbody, (zero, (zero,) * NNEG))
        sl = pl.ds(g * GB, GB)
        for n in range(NNEG):
            scores_v[n, sl] = accn[n]
        scores_v[NNEG, sl] = accp

    issue(0, nbuf0, sem_n0)

    def outer(gg, carry):
        g0 = gg * 2
        issue(g0 + 1, nbuf1, sem_n1)
        drain(g0, nbuf0, sem_n0)
        compute(g0, nbuf0)

        @pl.when(g0 + 2 < NG)
        def _():
            issue(g0 + 2, nbuf0, sem_n0)

        drain(g0 + 1, nbuf1, sem_n1)
        compute(g0 + 1, nbuf1)
        return carry

    lax.fori_loop(0, NG // 2, outer, 0)
    pltpu.sync_copy(scores_v, out.at[wid])


def _tc_reduce_body(scores_ref, out_ref):
    x = jnp.clip(scores_ref[...], -10.0, 10.0)
    n = lax.broadcasted_iota(jnp.int32, x.shape, 1)
    t = jnp.where(n == NNEG, -x, x)
    val = jnp.maximum(t, 0.0) + jnp.log1p(jnp.exp(-jnp.abs(x)))
    out_ref[0, 0] = jnp.sum(val) / B


def kernel(pos_u, pos_v, neg_v, u_emb, frozen_emb, v_emb):
    del frozen_emb
    neg_flat = neg_v.reshape(-1)
    mesh = plsc.VectorSubcoreMesh(core_axis_name="c", subcore_axis_name="s",
                                  num_cores=NC, num_subcores=NS)
    scores = pl.kernel(
        _sc_scores_body,
        out_type=jax.ShapeDtypeStruct((NW, NNEG + 1, PW), jnp.float32),
        mesh=mesh,
        compiler_params=pltpu.CompilerParams(needs_layout_passes=False,
                                             use_tc_tiling_on_sc=False,
                                             disable_bounds_checks=True,
                                             disable_semaphore_checks=True,
                                             skip_device_barrier=True),
        scratch_types=[
            pltpu.VMEM((PW,), jnp.int32),
            pltpu.VMEM((PW,), jnp.int32),
            pltpu.VMEM((PW * NNEG,), jnp.int32),
            pltpu.VMEM((PW, D), jnp.float32),
            pltpu.VMEM((PW, D), jnp.float32),
            pltpu.VMEM((GROWS, D), jnp.float32),
            pltpu.VMEM((GROWS, D), jnp.float32),
            pltpu.VMEM((NNEG + 1, PW), jnp.float32),
            pltpu.SemaphoreType.DMA,
            pltpu.SemaphoreType.DMA,
            pltpu.SemaphoreType.DMA,
        ],
    )(u_emb, v_emb, pos_u, pos_v, neg_flat)
    loss = pl.pallas_call(
        _tc_reduce_body,
        out_shape=jax.ShapeDtypeStruct((1, 1), jnp.float32),
        out_specs=pl.BlockSpec(memory_space=pltpu.SMEM),
    )(scores)
    return loss[0, 0]

# --- scband reference (transcript-rebuilt; emitter-appended) ---
"""Pipeline reference for scband-skip-gram-model-47742856462411 (READ-ONLY COPY).

The authoritative reference and input builder live on the scoring server;
editing this copy changes nothing except your own understanding.
"""

import jax, jax.numpy as jnp
import numpy as np

EMB_SIZE = 100000
EMB_DIM = 64
BATCH = 16384
N_NEG = 20


def setup_inputs(seed: int = 0) -> dict:
    key = jax.random.key(seed)
    k1, k2, k3, k4, k5 = jax.random.split(key, 5)
    pos_u = jax.random.randint(k1, (BATCH,), 0, EMB_SIZE, dtype=jnp.int32)
    pos_v = jax.random.randint(k2, (BATCH,), 0, EMB_SIZE, dtype=jnp.int32)
    neg_v = jax.random.randint(k3, (BATCH, N_NEG), 0, EMB_SIZE, dtype=jnp.int32)
    initrange = 1.0 / EMB_DIM
    u_emb = jax.random.uniform(k4, (EMB_SIZE, EMB_DIM), dtype=jnp.float32, minval=-initrange, maxval=initrange)
    # frozen_embeddings: nn.Embedding default init is N(0, 1); frozen_embeddings arg is None so ids set is empty
    frozen_emb = jax.random.normal(k5, (EMB_SIZE, EMB_DIM), dtype=jnp.float32)
    v_emb = jnp.zeros((EMB_SIZE, EMB_DIM), dtype=jnp.float32)
    return {"pos_u": pos_u, "pos_v": pos_v, "neg_v": neg_v, "u_emb": u_emb, "frozen_emb": frozen_emb, "v_emb": v_emb}


def reference(pos_u, pos_v, neg_v, u_emb, frozen_emb, v_emb):
    # frozen_embedding_ids is empty (frozen_embeddings=None in __init__)
    frozen_ids = jnp.zeros((0,), dtype=pos_u.dtype)
    learned_emb_u = jnp.take(u_emb, pos_u, axis=0)
    frozen_emb_u = jax.lax.stop_gradient(jnp.take(frozen_emb, pos_u, axis=0))
    mask = jnp.isin(pos_u, frozen_ids)[:, None]  # all False -> pick learned
    emb_u = jnp.where(mask, frozen_emb_u, learned_emb_u)
    emb_v = jnp.take(v_emb, pos_v, axis=0)
    emb_neg_v = jnp.take(v_emb, neg_v, axis=0)  # [B, N_NEG, D]
    score = jnp.sum(emb_u * emb_v, axis=1)
    score = jnp.clip(score, -10.0, 10.0)
    score = -jax.nn.log_sigmoid(score)
    neg_score = jnp.einsum('bnd,bd->bn', emb_neg_v, emb_u)  # bmm(emb_neg_v, emb_u.unsqueeze(2)).squeeze()
    neg_score = jnp.clip(neg_score, -10.0, 10.0)
    neg_score = -jnp.sum(jax.nn.log_sigmoid(-neg_score), axis=1)
    return jnp.mean(score + neg_score)

if __name__ == "__main__":
    import jax
    _d = setup_inputs()
    print(jax.jit(kernel)(*tuple(_d.values())))

</pallas_src>

<mosaic_0001>
#map = affine_map<(d0, d1) -> (0, 0)>
#map1 = affine_map<(d0, d1) -> (0)>
#map2 = affine_map<(d0, d1) -> (0, 0, 0)>
module attributes {stable_mosaic.version = 14 : i64} {
  func.func @_sc_scores_body(%arg0: i32, %arg1: i32, %arg2: memref<100000x64xf32, #tpu.memory_space<hbm>>, %arg3: memref<100000x64xf32, #tpu.memory_space<hbm>>, %arg4: memref<16384xi32, #tpu.memory_space<hbm>>, %arg5: memref<16384xi32, #tpu.memory_space<hbm>>, %arg6: memref<327680xi32, #tpu.memory_space<hbm>>, %arg7: memref<32x21x512xf32, #tpu.memory_space<hbm>>, %arg8: memref<512xi32, #tpu.memory_space<vmem>>, %arg9: memref<512xi32, #tpu.memory_space<vmem>>, %arg10: memref<10240xi32, #tpu.memory_space<vmem>>, %arg11: memref<512x64xf32, #tpu.memory_space<vmem>>, %arg12: memref<512x64xf32, #tpu.memory_space<vmem>>, %arg13: memref<320x64xf32, #tpu.memory_space<vmem>>, %arg14: memref<320x64xf32, #tpu.memory_space<vmem>>, %arg15: memref<21x512xf32, #tpu.memory_space<vmem>>, %arg16: memref<!tpu.dma_semaphore, #tpu.memory_space<semaphore_mem>>, %arg17: memref<!tpu.dma_semaphore, #tpu.memory_space<semaphore_mem>>, %arg18: memref<!tpu.dma_semaphore, #tpu.memory_space<semaphore_mem>>) attributes {dimension_semantics = [#tpu.dimension_semantics<core_parallel>, #tpu.dimension_semantics<subcore_parallel>], iteration_bounds = array<i64: 2, 16>, scalar_prefetch = 0 : i64, scratch_operands = 11 : i64, tpu.core_type = #tpu.core_type<sc_vector_subcore>, window_params = [{transform_indices = #map}, {transform_indices = #map}, {transform_indices = #map1}, {transform_indices = #map1}, {transform_indices = #map1}, {transform_indices = #map2}]} {
    %mul3A = arith.constant 2 : i32
    %mul3A_0 = arith.muli %arg1, %mul3A : i32
    %add3A = arith.addi %mul3A_0, %arg0 : i32
    %mul3A_1 = arith.constant 512 : i32
    %mul3A_2 = arith.muli %add3A, %mul3A_1 : i32
    "tpu.region"() ({
      %run_scoped3A = tpu.sem_alloc : memref<!tpu.dma_semaphore, #tpu.memory_space<semaphore_mem>>
      %dma_start3A_163 = tpu.memref_slice %arg4[%mul3A_2] : memref<16384xi32, #tpu.memory_space<hbm>> -> memref<512xi32, #tpu.memory_space<hbm>>
      %dma_start3A_164 = tpu.memref_slice %arg4[%mul3A_2] : memref<16384xi32, #tpu.memory_space<hbm>> -> memref<512xi32, #tpu.memory_space<hbm>>
      tpu.enqueue_dma source(%dma_start3A_164 : memref<512xi32, #tpu.memory_space<hbm>>) target(%arg8 : memref<512xi32, #tpu.memory_space<vmem>>) target_semaphore(%run_scoped3A : memref<!tpu.dma_semaphore, #tpu.memory_space<semaphore_mem>>)
      %dma_wait3A_165 = tpu.memref_slice %arg4[%mul3A_2] : memref<16384xi32, #tpu.memory_space<hbm>> -> memref<512xi32, #tpu.memory_space<hbm>>
      %dma_wait3A_166 = tpu.memref_slice %arg4[%mul3A_2] : memref<16384xi32, #tpu.memory_space<hbm>> -> memref<512xi32, #tpu.memory_space<hbm>>
      tpu.wait_dma2 semaphore(%run_scoped3A : memref<!tpu.dma_semaphore, #tpu.memory_space<semaphore_mem>>) src(%dma_wait3A_166 : memref<512xi32, #tpu.memory_space<hbm>>) dst(%arg8 : memref<512xi32, #tpu.memory_space<vmem>>)
      tpu.yield
    }) : () -> ()
    "tpu.region"() ({
      %run_scoped3A = tpu.sem_alloc : memref<!tpu.dma_semaphore, #tpu.memory_space<semaphore_mem>>
      %dma_start3A_163 = tpu.memref_slice %arg5[%mul3A_2] : memref<16384xi32, #tpu.memory_space<hbm>> -> memref<512xi32, #tpu.memory_space<hbm>>
      %dma_start3A_164 = tpu.memref_slice %arg5[%mul3A_2] : memref<16384xi32, #tpu.memory_space<hbm>> -> memref<512xi32, #tpu.memory_space<hbm>>
      tpu.enqueue_dma source(%dma_start3A_164 : memref<512xi32, #tpu.memory_space<hbm>>) target(%arg9 : memref<512xi32, #tpu.memory_space<vmem>>) target_semaphore(%run_scoped3A : memref<!tpu.dma_semaphore, #tpu.memory_space<semaphore_mem>>)
      %dma_wait3A_165 = tpu.memref_slice %arg5[%mul3A_2] : memref<16384xi32, #tpu.memory_space<hbm>> -> memref<512xi32, #tpu.memory_space<hbm>>
      %dma_wait3A_166 = tpu.memref_slice %arg5[%mul3A_2] : memref<16384xi32, #tpu.memory_space<hbm>> -> memref<512xi32, #tpu.memory_space<hbm>>
      tpu.wait_dma2 semaphore(%run_scoped3A : memref<!tpu.dma_semaphore, #tpu.memory_space<semaphore_mem>>) src(%dma_wait3A_166 : memref<512xi32, #tpu.memory_space<hbm>>) dst(%arg9 : memref<512xi32, #tpu.memory_space<vmem>>)
      tpu.yield
    }) : () -> ()
    %mul3A_3 = arith.constant 20 : i32
    %mul3A_4 = arith.muli %mul3A_2, %mul3A_3 : i32
    "tpu.region"() ({
      %run_scoped3A = tpu.sem_alloc : memref<!tpu.dma_semaphore, #tpu.memory_space<semaphore_mem>>
      %dma_start3A_163 = tpu.memref_slice %arg6[%mul3A_4] : memref<327680xi32, #tpu.memory_space<hbm>> -> memref<10240xi32, #tpu.memory_space<hbm>>
      %dma_start3A_164 = tpu.memref_slice %arg6[%mul3A_4] : memref<327680xi32, #tpu.memory_space<hbm>> -> memref<10240xi32, #tpu.memory_space<hbm>>
      tpu.enqueue_dma source(%dma_start3A_164 : memref<10240xi32, #tpu.memory_space<hbm>>) target(%arg10 : memref<10240xi32, #tpu.memory_space<vmem>>) target_semaphore(%run_scoped3A : memref<!tpu.dma_semaphore, #tpu.memory_space<semaphore_mem>>)
      %dma_wait3A_165 = tpu.memref_slice %arg6[%mul3A_4] : memref<327680xi32, #tpu.memory_space<hbm>> -> memref<10240xi32, #tpu.memory_space<hbm>>
      %dma_wait3A_166 = tpu.memref_slice %arg6[%mul3A_4] : memref<327680xi32, #tpu.memory_space<hbm>> -> memref<10240xi32, #tpu.memory_space<hbm>>
      tpu.wait_dma2 semaphore(%run_scoped3A : memref<!tpu.dma_semaphore, #tpu.memory_space<semaphore_mem>>) src(%dma_wait3A_166 : memref<10240xi32, #tpu.memory_space<hbm>>) dst(%arg10 : memref<10240xi32, #tpu.memory_space<vmem>>)
      tpu.yield
    }) : () -> ()
    %dma_start3A = arith.constant 0 : i32
    %dma_start3A_5 = arith.constant 0 : i32
    %dma_start3A_6 = tpu.memref_slice %arg11[%dma_start3A, %dma_start3A_5] : memref<512x64xf32, #tpu.memory_space<vmem>> -> memref<128x64xf32, #tpu.memory_space<vmem>>
    %dma_start3A_7 = arith.constant 0 : i32
    %dma_start3A_8 = tpu.memref_slice %arg8[%dma_start3A_7] : memref<512xi32, #tpu.memory_space<vmem>> -> memref<128xi32, #tpu.memory_space<vmem>>
    %dma_start3A_9 = arith.constant 0 : i32
    %dma_start3A_10 = arith.constant 0 : i32
    %dma_start3A_11 = tpu.memref_slice %arg2[%dma_start3A_9, %dma_start3A_10] : memref<100000x64xf32, #tpu.memory_space<hbm>> -> memref<100000x64xf32, #tpu.memory_space<hbm>>
    tpu.enqueue_indirect_dma source(%dma_start3A_11 : memref<100000x64xf32, #tpu.memory_space<hbm>>) target(%dma_start3A_6 : memref<128x64xf32, #tpu.memory_space<vmem>>) offsets(%dma_start3A_8 : memref<128xi32, #tpu.memory_space<vmem>>) semaphore(%arg16 : memref<!tpu.dma_semaphore, #tpu.memory_space<semaphore_mem>>)
    %dma_start3A_12 = arith.constant 0 : i32
    %dma_start3A_13 = arith.constant 0 : i32
    %dma_start3A_14 = tpu.memref_slice %arg12[%dma_start3A_12, %dma_start3A_13] : memref<512x64xf32, #tpu.memory_space<vmem>> -> memref<128x64xf32, #tpu.memory_space<vmem>>
    %dma_start3A_15 = arith.constant 0 : i32
    %dma_start3A_16 = tpu.memref_slice %arg9[%dma_start3A_15] : memref<512xi32, #tpu.memory_space<vmem>> -> memref<128xi32, #tpu.memory_space<vmem>>
    %dma_start3A_17 = arith.constant 0 : i32
    %dma_start3A_18 = arith.constant 0 : i32
    %dma_start3A_19 = tpu.memref_slice %arg3[%dma_start3A_17, %dma_start3A_18] : memref<100000x64xf32, #tpu.memory_space<hbm>> -> memref<100000x64xf32, #tpu.memory_space<hbm>>
    tpu.enqueue_indirect_dma source(%dma_start3A_19 : memref<100000x64xf32, #tpu.memory_space<hbm>>) target(%dma_start3A_14 : memref<128x64xf32, #tpu.memory_space<vmem>>) offsets(%dma_start3A_16 : memref<128xi32, #tpu.memory_space<vmem>>) semaphore(%arg16 : memref<!tpu.dma_semaphore, #tpu.memory_space<semaphore_mem>>)
    %dma_start3A_20 = arith.constant 128 : i32
    %dma_start3A_21 = arith.constant 0 : i32
    %dma_start3A_22 = tpu.memref_slice %arg11[%dma_start3A_20, %dma_start3A_21] : memref<512x64xf32, #tpu.memory_space<vmem>> -> memref<128x64xf32, #tpu.memory_space<vmem>>
    %dma_start3A_23 = arith.constant 128 : i32
    %dma_start3A_24 = tpu.memref_slice %arg8[%dma_start3A_23] : memref<512xi32, #tpu.memory_space<vmem>> -> memref<128xi32, #tpu.memory_space<vmem>>
    %dma_start3A_25 = arith.constant 0 : i32
    %dma_start3A_26 = arith.constant 0 : i32
    %dma_start3A_27 = tpu.memref_slice %arg2[%dma_start3A_25, %dma_start3A_26] : memref<100000x64xf32, #tpu.memory_space<hbm>> -> memref<100000x64xf32, #tpu.memory_space<hbm>>
    tpu.enqueue_indirect_dma source(%dma_start3A_27 : memref<100000x64xf32, #tpu.memory_space<hbm>>) target(%dma_start3A_22 : memref<128x64xf32, #tpu.memory_space<vmem>>) offsets(%dma_start3A_24 : memref<128xi32, #tpu.memory_space<vmem>>) semaphore(%arg16 : memref<!tpu.dma_semaphore, #tpu.memory_space<semaphore_mem>>)
    %dma_start3A_28 = arith.constant 128 : i32
    %dma_start3A_29 = arith.constant 0 : i32
    %dma_start3A_30 = tpu.memref_slice %arg12[%dma_start3A_28, %dma_start3A_29] : memref<512x64xf32, #tpu.memory_space<vmem>> -> memref<128x64xf32, #tpu.memory_space<vmem>>
    %dma_start3A_31 = arith.constant 128 : i32
    %dma_start3A_32 = tpu.memref_slice %arg9[%dma_start3A_31] : memref<512xi32, #tpu.memory_space<vmem>> -> memref<128xi32, #tpu.memory_space<vmem>>
    %dma_start3A_33 = arith.constant 0 : i32
    %dma_start3A_34 = arith.constant 0 : i32
    %dma_start3A_35 = tpu.memref_slice %arg3[%dma_start3A_33, %dma_start3A_34] : memref<100000x64xf32, #tpu.memory_space<hbm>> -> memref<100000x64xf32, #tpu.memory_space<hbm>>
    tpu.enqueue_indirect_dma source(%dma_start3A_35 : memref<100000x64xf32, #tpu.memory_space<hbm>>) target(%dma_start3A_30 : memref<128x64xf32, #tpu.memory_space<vmem>>) offsets(%dma_start3A_32 : memref<128xi32, #tpu.memory_space<vmem>>) semaphore(%arg16 : memref<!tpu.dma_semaphore, #tpu.memory_space<semaphore_mem>>)
    %dma_start3A_36 = arith.constant 256 : i32
    %dma_start3A_37 = arith.constant 0 : i32
    %dma_start3A_38 = tpu.memref_slice %arg11[%dma_start3A_36, %dma_start3A_37] : memref<512x64xf32, #tpu.memory_space<vmem>> -> memref<128x64xf32, #tpu.memory_space<vmem>>
    %dma_start3A_39 = arith.constant 256 : i32
    %dma_start3A_40 = tpu.memref_slice %arg8[%dma_start3A_39] : memref<512xi32, #tpu.memory_space<vmem>> -> memref<128xi32, #tpu.memory_space<vmem>>
    %dma_start3A_41 = arith.constant 0 : i32
    %dma_start3A_42 = arith.constant 0 : i32
    %dma_start3A_43 = tpu.memref_slice %arg2[%dma_start3A_41, %dma_start3A_42] : memref<100000x64xf32, #tpu.memory_space<hbm>> -> memref<100000x64xf32, #tpu.memory_space<hbm>>
    tpu.enqueue_indirect_dma source(%dma_start3A_43 : memref<100000x64xf32, #tpu.memory_space<hbm>>) target(%dma_start3A_38 : memref<128x64xf32, #tpu.memory_space<vmem>>) offsets(%dma_start3A_40 : memref<128xi32, #tpu.memory_space<vmem>>) semaphore(%arg16 : memref<!tpu.dma_semaphore, #tpu.memory_space<semaphore_mem>>)
    %dma_start3A_44 = arith.constant 256 : i32
    %dma_start3A_45 = arith.constant 0 : i32
    %dma_start3A_46 = tpu.memref_slice %arg12[%dma_start3A_44, %dma_start3A_45] : memref<512x64xf32, #tpu.memory_space<vmem>> -> memref<128x64xf32, #tpu.memory_space<vmem>>
    %dma_start3A_47 = arith.constant 256 : i32
    %dma_start3A_48 = tpu.memref_slice %arg9[%dma_start3A_47] : memref<512xi32, #tpu.memory_space<vmem>> -> memref<128xi32, #tpu.memory_space<vmem>>
    %dma_start3A_49 = arith.constant 0 : i32
    %dma_start3A_50 = arith.constant 0 : i32
    %dma_start3A_51 = tpu.memref_slice %arg3[%dma_start3A_49, %dma_start3A_50] : memref<100000x64xf32, #tpu.memory_space<hbm>> -> memref<100000x64xf32, #tpu.memory_space<hbm>>
    tpu.enqueue_indirect_dma source(%dma_start3A_51 : memref<100000x64xf32, #tpu.memory_space<hbm>>) target(%dma_start3A_46 : memref<128x64xf32, #tpu.memory_space<vmem>>) offsets(%dma_start3A_48 : memref<128xi32, #tpu.memory_space<vmem>>) semaphore(%arg16 : memref<!tpu.dma_semaphore, #tpu.memory_space<semaphore_mem>>)
    %dma_start3A_52 = arith.constant 384 : i32
    %dma_start3A_53 = arith.constant 0 : i32
    %dma_start3A_54 = tpu.memref_slice %arg11[%dma_start3A_52, %dma_start3A_53] : memref<512x64xf32, #tpu.memory_space<vmem>> -> memref<128x64xf32, #tpu.memory_space<vmem>>
    %dma_start3A_55 = arith.constant 384 : i32
    %dma_start3A_56 = tpu.memref_slice %arg8[%dma_start3A_55] : memref<512xi32, #tpu.memory_space<vmem>> -> memref<128xi32, #tpu.memory_space<vmem>>
    %dma_start3A_57 = arith.constant 0 : i32
    %dma_start3A_58 = arith.constant 0 : i32
    %dma_start3A_59 = tpu.memref_slice %arg2[%dma_start3A_57, %dma_start3A_58] : memref<100000x64xf32, #tpu.memory_space<hbm>> -> memref<100000x64xf32, #tpu.memory_space<hbm>>
    tpu.enqueue_indirect_dma source(%dma_start3A_59 : memref<100000x64xf32, #tpu.memory_space<hbm>>) target(%dma_start3A_54 : memref<128x64xf32, #tpu.memory_space<vmem>>) offsets(%dma_start3A_56 : memref<128xi32, #tpu.memory_space<vmem>>) semaphore(%arg16 : memref<!tpu.dma_semaphore, #tpu.memory_space<semaphore_mem>>)
    %dma_start3A_60 = arith.constant 384 : i32
    %dma_start3A_61 = arith.constant 0 : i32
    %dma_start3A_62 = tpu.memref_slice %arg12[%dma_start3A_60, %dma_start3A_61] : memref<512x64xf32, #tpu.memory_space<vmem>> -> memref<128x64xf32, #tpu.memory_space<vmem>>
    %dma_start3A_63 = arith.constant 384 : i32
    %dma_start3A_64 = tpu.memref_slice %arg9[%dma_start3A_63] : memref<512xi32, #tpu.memory_space<vmem>> -> memref<128xi32, #tpu.memory_space<vmem>>
    %dma_start3A_65 = arith.constant 0 : i32
    %dma_start3A_66 = arith.constant 0 : i32
    %dma_start3A_67 = tpu.memref_slice %arg3[%dma_start3A_65, %dma_start3A_66] : memref<100000x64xf32, #tpu.memory_space<hbm>> -> memref<100000x64xf32, #tpu.memory_space<hbm>>
    tpu.enqueue_indirect_dma source(%dma_start3A_67 : memref<100000x64xf32, #tpu.memory_space<hbm>>) target(%dma_start3A_62 : memref<128x64xf32, #tpu.memory_space<vmem>>) offsets(%dma_start3A_64 : memref<128xi32, #tpu.memory_space<vmem>>) semaphore(%arg16 : memref<!tpu.dma_semaphore, #tpu.memory_space<semaphore_mem>>)
    %dma_wait3A = arith.constant 0 : i32
    %dma_wait3A_68 = arith.constant 0 : i32
    %dma_wait3A_69 = tpu.memref_slice %arg11[%dma_wait3A, %dma_wait3A_68] : memref<512x64xf32, #tpu.memory_space<vmem>> -> memref<128x64xf32, #tpu.memory_space<vmem>>
    %dma_wait3A_70 = arith.constant 0 : i32
    %dma_wait3A_71 = tpu.memref_slice %arg8[%dma_wait3A_70] : memref<512xi32, #tpu.memory_space<vmem>> -> memref<128xi32, #tpu.memory_space<vmem>>
    %dma_wait3A_72 = arith.constant 0 : i32
    %dma_wait3A_73 = arith.constant 0 : i32
    %dma_wait3A_74 = tpu.memref_slice %arg2[%dma_wait3A_72, %dma_wait3A_73] : memref<100000x64xf32, #tpu.memory_space<hbm>> -> memref<100000x64xf32, #tpu.memory_space<hbm>>
    tpu.wait_indirect_dma semaphore(%arg16 : memref<!tpu.dma_semaphore, #tpu.memory_space<semaphore_mem>>) src(%dma_wait3A_74 : memref<100000x64xf32, #tpu.memory_space<hbm>>) dst(%dma_wait3A_69 : memref<128x64xf32, #tpu.memory_space<vmem>>)
    %dma_wait3A_75 = arith.constant 0 : i32
    %dma_wait3A_76 = arith.constant 0 : i32
    %dma_wait3A_77 = tpu.memref_slice %arg12[%dma_wait3A_75, %dma_wait3A_76] : memref<512x64xf32, #tpu.memory_space<vmem>> -> memref<128x64xf32, #tpu.memory_space<vmem>>
    %dma_wait3A_78 = arith.constant 0 : i32
    %dma_wait3A_79 = tpu.memref_slice %arg9[%dma_wait3A_78] : memref<512xi32, #tpu.memory_space<vmem>> -> memref<128xi32, #tpu.memory_space<vmem>>
    %dma_wait3A_80 = arith.constant 0 : i32
    %dma_wait3A_81 = arith.constant 0 : i32
    %dma_wait3A_82 = tpu.memref_slice %arg3[%dma_wait3A_80, %dma_wait3A_81] : memref<100000x64xf32, #tpu.memory_space<hbm>> -> memref<100000x64xf32, #tpu.memory_space<hbm>>
    tpu.wait_indirect_dma semaphore(%arg16 : memref<!tpu.dma_semaphore, #tpu.memory_space<semaphore_mem>>) src(%dma_wait3A_82 : memref<100000x64xf32, #tpu.memory_space<hbm>>) dst(%dma_wait3A_77 : memref<128x64xf32, #tpu.memory_space<vmem>>)
    %dma_wait3A_83 = arith.constant 128 : i32
    %dma_wait3A_84 = arith.constant 0 : i32
    %dma_wait3A_85 = tpu.memref_slice %arg11[%dma_wait3A_83, %dma_wait3A_84] : memref<512x64xf32, #tpu.memory_space<vmem>> -> memref<128x64xf32, #tpu.memory_space<vmem>>
    %dma_wait3A_86 = arith.constant 128 : i32
    %dma_wait3A_87 = tpu.memref_slice %arg8[%dma_wait3A_86] : memref<512xi32, #tpu.memory_space<vmem>> -> memref<128xi32, #tpu.memory_space<vmem>>
    %dma_wait3A_88 = arith.constant 0 : i32
    %dma_wait3A_89 = arith.constant 0 : i32
    %dma_wait3A_90 = tpu.memref_slice %arg2[%dma_wait3A_88, %dma_wait3A_89] : memref<100000x64xf32, #tpu.memory_space<hbm>> -> memref<100000x64xf32, #tpu.memory_space<hbm>>
    tpu.wait_indirect_dma semaphore(%arg16 : memref<!tpu.dma_semaphore, #tpu.memory_space<semaphore_mem>>) src(%dma_wait3A_90 : memref<100000x64xf32, #tpu.memory_space<hbm>>) dst(%dma_wait3A_85 : memref<128x64xf32, #tpu.memory_space<vmem>>)
    %dma_wait3A_91 = arith.constant 128 : i32
    %dma_wait3A_92 = arith.constant 0 : i32
    %dma_wait3A_93 = tpu.memref_slice %arg12[%dma_wait3A_91, %dma_wait3A_92] : memref<512x64xf32, #tpu.memory_space<vmem>> -> memref<128x64xf32, #tpu.memory_space<vmem>>
    %dma_wait3A_94 = arith.constant 128 : i32
    %dma_wait3A_95 = tpu.memref_slice %arg9[%dma_wait3A_94] : memref<512xi32, #tpu.memory_space<vmem>> -> memref<128xi32, #tpu.memory_space<vmem>>
    %dma_wait3A_96 = arith.constant 0 : i32
    %dma_wait3A_97 = arith.constant 0 : i32
    %dma_wait3A_98 = tpu.memref_slice %arg3[%dma_wait3A_96, %dma_wait3A_97] : memref<100000x64xf32, #tpu.memory_space<hbm>> -> memref<100000x64xf32, #tpu.memory_space<hbm>>
    tpu.wait_indirect_dma semaphore(%arg16 : memref<!tpu.dma_semaphore, #tpu.memory_space<semaphore_mem>>) src(%dma_wait3A_98 : memref<100000x64xf32, #tpu.memory_space<hbm>>) dst(%dma_wait3A_93 : memref<128x64xf32, #tpu.memory_space<vmem>>)
    %dma_wait3A_99 = arith.constant 256 : i32
    %dma_wait3A_100 = arith.constant 0 : i32
    %dma_wait3A_101 = tpu.memref_slice %arg11[%dma_wait3A_99, %dma_wait3A_100] : memref<512x64xf32, #tpu.memory_space<vmem>> -> memref<128x64xf32, #tpu.memory_space<vmem>>
    %dma_wait3A_102 = arith.constant 256 : i32
    %dma_wait3A_103 = tpu.memref_slice %arg8[%dma_wait3A_102] : memref<512xi32, #tpu.memory_space<vmem>> -> memref<128xi32, #tpu.memory_space<vmem>>
    %dma_wait3A_104 = arith.constant 0 : i32
    %dma_wait3A_105 = arith.constant 0 : i32
    %dma_wait3A_106 = tpu.memref_slice %arg2[%dma_wait3A_104, %dma_wait3A_105] : memref<100000x64xf32, #tpu.memory_space<hbm>> -> memref<100000x64xf32, #tpu.memory_space<hbm>>
    tpu.wait_indirect_dma semaphore(%arg16 : memref<!tpu.dma_semaphore, #tpu.memory_space<semaphore_mem>>) src(%dma_wait3A_106 : memref<100000x64xf32, #tpu.memory_space<hbm>>) dst(%dma_wait3A_101 : memref<128x64xf32, #tpu.memory_space<vmem>>)
    %dma_wait3A_107 = arith.constant 256 : i32
    %dma_wait3A_108 = arith.constant 0 : i32
    %dma_wait3A_109 = tpu.memref_slice %arg12[%dma_wait3A_107, %dma_wait3A_108] : memref<512x64xf32, #tpu.memory_space<vmem>> -> memref<128x64xf32, #tpu.memory_space<vmem>>
    %dma_wait3A_110 = arith.constant 256 : i32
    %dma_wait3A_111 = tpu.memref_slice %arg9[%dma_wait3A_110] : memref<512xi32, #tpu.memory_space<vmem>> -> memref<128xi32, #tpu.memory_space<vmem>>
    %dma_wait3A_112 = arith.constant 0 : i32
    %dma_wait3A_113 = arith.constant 0 : i32
    %dma_wait3A_114 = tpu.memref_slice %arg3[%dma_wait3A_112, %dma_wait3A_113] : memref<100000x64xf32, #tpu.memory_space<hbm>> -> memref<100000x64xf32, #tpu.memory_space<hbm>>
    tpu.wait_indirect_dma semaphore(%arg16 : memref<!tpu.dma_semaphore, #tpu.memory_space<semaphore_mem>>) src(%dma_wait3A_114 : memref<100000x64xf32, #tpu.memory_space<hbm>>) dst(%dma_wait3A_109 : memref<128x64xf32, #tpu.memory_space<vmem>>)
    %dma_wait3A_115 = arith.constant 384 : i32
    %dma_wait3A_116 = arith.constant 0 : i32
    %dma_wait3A_117 = tpu.memref_slice %arg11[%dma_wait3A_115, %dma_wait3A_116] : memref<512x64xf32, #tpu.memory_space<vmem>> -> memref<128x64xf32, #tpu.memory_space<vmem>>
    %dma_wait3A_118 = arith.constant 384 : i32
    %dma_wait3A_119 = tpu.memref_slice %arg8[%dma_wait3A_118] : memref<512xi32, #tpu.memory_space<vmem>> -> memref<128xi32, #tpu.memory_space<vmem>>
    %dma_wait3A_120 = arith.constant 0 : i32
    %dma_wait3A_121 = arith.constant 0 : i32
    %dma_wait3A_122 = tpu.memref_slice %arg2[%dma_wait3A_120, %dma_wait3A_121] : memref<100000x64xf32, #tpu.memory_space<hbm>> -> memref<100000x64xf32, #tpu.memory_space<hbm>>
    tpu.wait_indirect_dma semaphore(%arg16 : memref<!tpu.dma_semaphore, #tpu.memory_space<semaphore_mem>>) src(%dma_wait3A_122 : memref<100000x64xf32, #tpu.memory_space<hbm>>) dst(%dma_wait3A_117 : memref<128x64xf32, #tpu.memory_space<vmem>>)
    %dma_wait3A_123 = arith.constant 384 : i32
    %dma_wait3A_124 = arith.constant 0 : i32
    %dma_wait3A_125 = tpu.memref_slice %arg12[%dma_wait3A_123, %dma_wait3A_124] : memref<512x64xf32, #tpu.memory_space<vmem>> -> memref<128x64xf32, #tpu.memory_space<vmem>>
    %dma_wait3A_126 = arith.constant 384 : i32
    %dma_wait3A_127 = tpu.memref_slice %arg9[%dma_wait3A_126] : memref<512xi32, #tpu.memory_space<vmem>> -> memref<128xi32, #tpu.memory_space<vmem>>
    %dma_wait3A_128 = arith.constant 0 : i32
    %dma_wait3A_129 = arith.constant 0 : i32
    %dma_wait3A_130 = tpu.memref_slice %arg3[%dma_wait3A_128, %dma_wait3A_129] : memref<100000x64xf32, #tpu.memory_space<hbm>> -> memref<100000x64xf32, #tpu.memory_space<hbm>>
    tpu.wait_indirect_dma semaphore(%arg16 : memref<!tpu.dma_semaphore, #tpu.memory_space<semaphore_mem>>) src(%dma_wait3A_130 : memref<100000x64xf32, #tpu.memory_space<hbm>>) dst(%dma_wait3A_125 : memref<128x64xf32, #tpu.memory_space<vmem>>)
    %iota3A = tpu.iota {dimensions = array<i32: 0>} : vector<16xi32>
    %mul3A_131 = arith.constant 20 : i32
    %mul3A_132 = vector.broadcast %mul3A_131 : i32 to vector<16xi32>
    %mul3A_133 = arith.muli %iota3A, %mul3A_132 : vector<16xi32>
    %dma_start3A_134 = arith.constant 0 : i32
    %dma_start3A_135 = arith.constant 0 : i32
    %dma_start3A_136 = tpu.memref_slice %arg13[%dma_start3A_134, %dma_start3A_135] : memref<320x64xf32, #tpu.memory_space<vmem>> -> memref<128x64xf32, #tpu.memory_space<vmem>>
    %dma_start3A_137 = arith.constant 0 : i32
    %dma_start3A_138 = tpu.memref_slice %arg10[%dma_start3A_137] : memref<10240xi32, #tpu.memory_space<vmem>> -> memref<128xi32, #tpu.memory_space<vmem>>
    %dma_start3A_139 = arith.constant 0 : i32
    %dma_start3A_140 = arith.constant 0 : i32
    %dma_start3A_141 = tpu.memref_slice %arg3[%dma_start3A_139, %dma_start3A_140] : memref<100000x64xf32, #tpu.memory_space<hbm>> -> memref<100000x64xf32, #tpu.memory_space<hbm>>
    tpu.enqueue_indirect_dma source(%dma_start3A_141 : memref<100000x64xf32, #tpu.memory_space<hbm>>) target(%dma_start3A_136 : memref<128x64xf32, #tpu.memory_space<vmem>>) offsets(%dma_start3A_138 : memref<128xi32, #tpu.memory_space<vmem>>) semaphore(%arg17 : memref<!tpu.dma_semaphore, #tpu.memory_space<semaphore_mem>>)
    %dma_start3A_142 = arith.constant 128 : i32
    %dma_start3A_143 = arith.constant 0 : i32
    %dma_start3A_144 = tpu.memref_slice %arg13[%dma_start3A_142, %dma_start3A_143] : memref<320x64xf32, #tpu.memory_space<vmem>> -> memref<128x64xf32, #tpu.memory_space<vmem>>
    %dma_start3A_145 = arith.constant 128 : i32
    %dma_start3A_146 = tpu.memref_slice %arg10[%dma_start3A_145] : memref<10240xi32, #tpu.memory_space<vmem>> -> memref<128xi32, #tpu.memory_space<vmem>>
    %dma_start3A_147 = arith.constant 0 : i32
    %dma_start3A_148 = arith.constant 0 : i32
    %dma_start3A_149 = tpu.memref_slice %arg3[%dma_start3A_147, %dma_start3A_148] : memref<100000x64xf32, #tpu.memory_space<hbm>> -> memref<100000x64xf32, #tpu.memory_space<hbm>>
    tpu.enqueue_indirect_dma source(%dma_start3A_149 : memref<100000x64xf32, #tpu.memory_space<hbm>>) target(%dma_start3A_144 : memref<128x64xf32, #tpu.memory_space<vmem>>) offsets(%dma_start3A_146 : memref<128xi32, #tpu.memory_space<vmem>>) semaphore(%arg17 : memref<!tpu.dma_semaphore, #tpu.memory_space<semaphore_mem>>)
    %dma_start3A_150 = arith.constant 256 : i32
    %dma_start3A_151 = arith.constant 0 : i32
    %dma_start3A_152 = tpu.memref_slice %arg13[%dma_start3A_150, %dma_start3A_151] : memref<320x64xf32, #tpu.memory_space<vmem>> -> memref<64x64xf32, #tpu.memory_space<vmem>>
    %dma_start3A_153 = arith.constant 256 : i32
    %dma_start3A_154 = tpu.memref_slice %arg10[%dma_start3A_153] : memref<10240xi32, #tpu.memory_space<vmem>> -> memref<64xi32, #tpu.memory_space<vmem>>
    %dma_start3A_155 = arith.constant 0 : i32
    %dma_start3A_156 = arith.constant 0 : i32
    %dma_start3A_157 = tpu.memref_slice %arg3[%dma_start3A_155, %dma_start3A_156] : memref<100000x64xf32, #tpu.memory_space<hbm>> -> memref<100000x64xf32, #tpu.memory_space<hbm>>
    tpu.enqueue_indirect_dma source(%dma_start3A_157 : memref<100000x64xf32, #tpu.memory_space<hbm>>) target(%dma_start3A_152 : memref<64x64xf32, #tpu.memory_space<vmem>>) offsets(%dma_start3A_154 : memref<64xi32, #tpu.memory_space<vmem>>) semaphore(%arg17 : memref<!tpu.dma_semaphore, #tpu.memory_space<semaphore_mem>>)
    %scan3A = arith.constant 0 : i32
    %scan3A_158 = arith.constant 0 : i32
    %scan3A_159 = arith.constant 16 : i32
    %scan3A_160 = arith.addi %scan3A_158, %scan3A_159 : i32
    %scan3A_161 = arith.constant 1 : i32
    scf.for %scan3A_163 = %scan3A_158 to %scan3A_160 step %scan3A_161  : i32 {
      %mul3A_164 = arith.constant 2 : i32
      %mul3A_165 = arith.muli %scan3A_163, %mul3A_164 : i32
      %add3A_166 = arith.constant 1 : i32
      %add3A_167 = arith.addi %mul3A_165, %add3A_166 : i32
      %mul3A_168 = arith.constant 320 : i32
      %mul3A_169 = arith.muli %add3A_167, %mul3A_168 : i32
      %dma_start3A_170 = arith.constant 0 : i32
      %dma_start3A_171 = arith.constant 0 : i32
      %dma_start3A_172 = tpu.memref_slice %arg14[%dma_start3A_170, %dma_start3A_171] : memref<320x64xf32, #tpu.memory_space<vmem>> -> memref<128x64xf32, #tpu.memory_space<vmem>>
      %dma_start3A_173 = tpu.memref_slice %arg10[%mul3A_169] : memref<10240xi32, #tpu.memory_space<vmem>> -> memref<128xi32, #tpu.memory_space<vmem>>
      %dma_start3A_174 = arith.constant 0 : i32
      %dma_start3A_175 = arith.constant 0 : i32
      %dma_start3A_176 = tpu.memref_slice %arg3[%dma_start3A_174, %dma_start3A_175] : memref<100000x64xf32, #tpu.memory_space<hbm>> -> memref<100000x64xf32, #tpu.memory_space<hbm>>
      tpu.enqueue_indirect_dma source(%dma_start3A_176 : memref<100000x64xf32, #tpu.memory_space<hbm>>) target(%dma_start3A_172 : memref<128x64xf32, #tpu.memory_space<vmem>>) offsets(%dma_start3A_173 : memref<128xi32, #tpu.memory_space<vmem>>) semaphore(%arg18 : memref<!tpu.dma_semaphore, #tpu.memory_space<semaphore_mem>>)
      %add3A_177 = arith.constant 128 : i32
      %add3A_178 = arith.addi %mul3A_169, %add3A_177 : i32
      %dma_start3A_179 = arith.constant 128 : i32
      %dma_start3A_180 = arith.constant 0 : i32
      %dma_start3A_181 = tpu.memref_slice %arg14[%dma_start3A_179, %dma_start3A_180] : memref<320x64xf32, #tpu.memory_space<vmem>> -> memref<128x64xf32, #tpu.memory_space<vmem>>
      %dma_start3A_182 = tpu.memref_slice %arg10[%add3A_178] : memref<10240xi32, #tpu.memory_space<vmem>> -> memref<128xi32, #tpu.memory_space<vmem>>
      %dma_start3A_183 = arith.constant 0 : i32
      %dma_start3A_184 = arith.constant 0 : i32
      %dma_start3A_185 = tpu.memref_slice %arg3[%dma_start3A_183, %dma_start3A_184] : memref<100000x64xf32, #tpu.memory_space<hbm>> -> memref<100000x64xf32, #tpu.memory_space<hbm>>
      tpu.enqueue_indirect_dma source(%dma_start3A_185 : memref<100000x64xf32, #tpu.memory_space<hbm>>) target(%dma_start3A_181 : memref<128x64xf32, #tpu.memory_space<vmem>>) offsets(%dma_start3A_182 : memref<128xi32, #tpu.memory_space<vmem>>) semaphore(%arg18 : memref<!tpu.dma_semaphore, #tpu.memory_space<semaphore_mem>>)
      %add3A_186 = arith.constant 256 : i32
      %add3A_187 = arith.addi %mul3A_169, %add3A_186 : i32
      %dma_start3A_188 = arith.constant 256 : i32
      %dma_start3A_189 = arith.constant 0 : i32
      %dma_start3A_190 = tpu.memref_slice %arg14[%dma_start3A_188, %dma_start3A_189] : memref<320x64xf32, #tpu.memory_space<vmem>> -> memref<64x64xf32, #tpu.memory_space<vmem>>
      %dma_start3A_191 = tpu.memref_slice %arg10[%add3A_187] : memref<10240xi32, #tpu.memory_space<vmem>> -> memref<64xi32, #tpu.memory_space<vmem>>
      %dma_start3A_192 = arith.constant 0 : i32
      %dma_start3A_193 = arith.constant 0 : i32
      %dma_start3A_194 = tpu.memref_slice %arg3[%dma_start3A_192, %dma_start3A_193] : memref<100000x64xf32, #tpu.memory_space<hbm>> -> memref<100000x64xf32, #tpu.memory_space<hbm>>
      tpu.enqueue_indirect_dma source(%dma_start3A_194 : memref<100000x64xf32, #tpu.memory_space<hbm>>) target(%dma_start3A_190 : memref<64x64xf32, #tpu.memory_space<vmem>>) offsets(%dma_start3A_191 : memref<64xi32, #tpu.memory_space<vmem>>) semaphore(%arg18 : memref<!tpu.dma_semaphore, #tpu.memory_space<semaphore_mem>>)
      %mul3A_195 = arith.constant 320 : i32
      %mul3A_196 = arith.muli %mul3A_165, %mul3A_195 : i32
      %dma_wait3A_197 = arith.constant 0 : i32
      %dma_wait3A_198 = arith.constant 0 : i32
      %dma_wait3A_199 = tpu.memref_slice %arg13[%dma_wait3A_197, %dma_wait3A_198] : memref<320x64xf32, #tpu.memory_space<vmem>> -> memref<128x64xf32, #tpu.memory_space<vmem>>
      %dma_wait3A_200 = tpu.memref_slice %arg10[%mul3A_196] : memref<10240xi32, #tpu.memory_space<vmem>> -> memref<128xi32, #tpu.memory_space<vmem>>
      %dma_wait3A_201 = arith.constant 0 : i32
      %dma_wait3A_202 = arith.constant 0 : i32
      %dma_wait3A_203 = tpu.memref_slice %arg3[%dma_wait3A_201, %dma_wait3A_202] : memref<100000x64xf32, #tpu.memory_space<hbm>> -> memref<100000x64xf32, #tpu.memory_space<hbm>>
      tpu.wait_indirect_dma semaphore(%arg17 : memref<!tpu.dma_semaphore, #tpu.memory_space<semaphore_mem>>) src(%dma_wait3A_203 : memref<100000x64xf32, #tpu.memory_space<hbm>>) dst(%dma_wait3A_199 : memref<128x64xf32, #tpu.memory_space<vmem>>)
      %add3A_204 = arith.constant 128 : i32
      %add3A_205 = arith.addi %mul3A_196, %add3A_204 : i32
      %dma_wait3A_206 = arith.constant 128 : i32
      %dma_wait3A_207 = arith.constant 0 : i32
      %dma_wait3A_208 = tpu.memref_slice %arg13[%dma_wait3A_206, %dma_wait3A_207] : memref<320x64xf32, #tpu.memory_space<vmem>> -> memref<128x64xf32, #tpu.memory_space<vmem>>
      %dma_wait3A_209 = tpu.memref_slice %arg10[%add3A_205] : memref<10240xi32, #tpu.memory_space<vmem>> -> memref<128xi32, #tpu.memory_space<vmem>>
      %dma_wait3A_210 = arith.constant 0 : i32
      %dma_wait3A_211 = arith.constant 0 : i32
      %dma_wait3A_212 = tpu.memref_slice %arg3[%dma_wait3A_210, %dma_wait3A_211] : memref<100000x64xf32, #tpu.memory_space<hbm>> -> memref<100000x64xf32, #tpu.memory_space<hbm>>
      tpu.wait_indirect_dma semaphore(%arg17 : memref<!tpu.dma_semaphore, #tpu.memory_space<semaphore_mem>>) src(%dma_wait3A_212 : memref<100000x64xf32, #tpu.memory_space<hbm>>) dst(%dma_wait3A_208 : memref<128x64xf32, #tpu.memory_space<vmem>>)
      %add3A_213 = arith.constant 256 : i32
      %add3A_214 = arith.addi %mul3A_196, %add3A_213 : i32
      %dma_wait3A_215 = arith.constant 256 : i32
      %dma_wait3A_216 = arith.constant 0 : i32
      %dma_wait3A_217 = tpu.memref_slice %arg13[%dma_wait3A_215, %dma_wait3A_216] : memref<320x64xf32, #tpu.memory_space<vmem>> -> memref<64x64xf32, #tpu.memory_space<vmem>>
      %dma_wait3A_218 = tpu.memref_slice %arg10[%add3A_214] : memref<10240xi32, #tpu.memory_space<vmem>> -> memref<64xi32, #tpu.memory_space<vmem>>
      %dma_wait3A_219 = arith.constant 0 : i32
      %dma_wait3A_220 = arith.constant 0 : i32
      %dma_wait3A_221 = tpu.memref_slice %arg3[%dma_wait3A_219, %dma_wait3A_220] : memref<100000x64xf32, #tpu.memory_space<hbm>> -> memref<100000x64xf32, #tpu.memory_space<hbm>>
      tpu.wait_indirect_dma semaphore(%arg17 : memref<!tpu.dma_semaphore, #tpu.memory_space<semaphore_mem>>) src(%dma_wait3A_221 : memref<100000x64xf32, #tpu.memory_space<hbm>>) dst(%dma_wait3A_217 : memref<64x64xf32, #tpu.memory_space<vmem>>)
      %mul3A_222 = arith.constant 16 : i32
      %mul3A_223 = arith.muli %mul3A_165, %mul3A_222 : i32
      %add3A_224 = vector.broadcast %mul3A_223 : i32 to vector<16xi32>
      %add3A_225 = arith.addi %iota3A, %add3A_224 : vector<16xi32>
      %broadcast_in_dim3A = arith.constant 0.000000e+00 : f32
      %broadcast_in_dim3A_226 = vector.broadcast %broadcast_in_dim3A : f32 to vector<16xf32>
      %scan3A_227 = arith.constant 0 : i32
      %scan3A_228 = arith.constant 64 : i32
      %scan3A_229 = arith.addi %scan3A_227, %scan3A_228 : i32
      %scan3A_230 = arith.constant 1 : i32
      %scan3A_231:21 = scf.for %scan3A_451 = %scan3A_227 to %scan3A_229 step %scan3A_230 iter_args(%scan3A_452 = %broadcast_in_dim3A_226, %scan3A_453 = %broadcast_in_dim3A_226, %scan3A_454 = %broadcast_in_dim3A_226, %scan3A_455 = %broadcast_in_dim3A_226, %scan3A_456 = %broadcast_in_dim3A_226, %scan3A_457 = %broadcast_in_dim3A_226, %scan3A_458 = %broadcast_in_dim3A_226, %scan3A_459 = %broadcast_in_dim3A_226, %scan3A_460 = %broadcast_in_dim3A_226, %scan3A_461 = %broadcast_in_dim3A_226, %scan3A_462 = %broadcast_in_dim3A_226, %scan3A_463 = %broadcast_in_dim3A_226, %scan3A_464 = %broadcast_in_dim3A_226, %scan3A_465 = %broadcast_in_dim3A_226, %scan3A_466 = %broadcast_in_dim3A_226, %scan3A_467 = %broadcast_in_dim3A_226, %scan3A_468 = %broadcast_in_dim3A_226, %scan3A_469 = %broadcast_in_dim3A_226, %scan3A_470 = %broadcast_in_dim3A_226, %scan3A_471 = %broadcast_in_dim3A_226, %scan3A_472 = %broadcast_in_dim3A_226) -> (vector<16xf32>, vector<16xf32>, vector<16xf32>, vector<16xf32>, vector<16xf32>, vector<16xf32>, vector<16xf32>, vector<16xf32>, vector<16xf32>, vector<16xf32>, vector<16xf32>, vector<16xf32>, vector<16xf32>, vector<16xf32>, vector<16xf32>, vector<16xf32>, vector<16xf32>, vector<16xf32>, vector<16xf32>, vector<16xf32>, vector<16xf32>)  : i32 {
        %add3A_473 = vector.broadcast %scan3A_451 : i32 to vector<16xi32>
        %add3A_474 = arith.addi %iota3A, %add3A_473 : vector<16xi32>
        %and3A = arith.constant 63 : i32
        %and3A_475 = vector.broadcast %and3A : i32 to vector<16xi32>
        %and3A_476 = arith.andi %add3A_474, %and3A_475 : vector<16xi32>
        %gather3A = tpu.vector_load_idx %arg11[%add3A_225, %and3A_476] : memref<512x64xf32, #tpu.memory_space<vmem>>[vector<16xi32>, vector<16xi32>], vector<16xf32>,
        %gather3A_477 = tpu.vector_load_idx %arg12[%add3A_225, %and3A_476] : memref<512x64xf32, #tpu.memory_space<vmem>>[vector<16xi32>, vector<16xi32>], vector<16xf32>,
        %mul3A_478 = arith.mulf %gather3A, %gather3A_477 : vector<16xf32>
        %add3A_479 = arith.addf %scan3A_452, %mul3A_478 : vector<16xf32>
        %add3A_480 = arith.constant 0 : i32
        %add3A_481 = vector.broadcast %add3A_480 : i32 to vector<16xi32>
        %add3A_482 = arith.addi %mul3A_133, %add3A_481 : vector<16xi32>
        %gather3A_483 = tpu.vector_load_idx %arg13[%add3A_482, %and3A_476] : memref<320x64xf32, #tpu.memory_space<vmem>>[vector<16xi32>, vector<16xi32>], vector<16xf32>,
        %mul3A_484 = arith.mulf %gather3A, %gather3A_483 : vector<16xf32>
        %add3A_485 = arith.addf %scan3A_453, %mul3A_484 : vector<16xf32>
        %add3A_486 = arith.constant 1 : i32
        %add3A_487 = vector.broadcast %add3A_486 : i32 to vector<16xi32>
        %add3A_488 = arith.addi %mul3A_133, %add3A_487 : vector<16xi32>
        %gather3A_489 = tpu.vector_load_idx %arg13[%add3A_488, %and3A_476] : memref<320x64xf32, #tpu.memory_space<vmem>>[vector<16xi32>, vector<16xi32>], vector<16xf32>,
        %mul3A_490 = arith.mulf %gather3A, %gather3A_489 : vector<16xf32>
        %add3A_491 = arith.addf %scan3A_454, %mul3A_490 : vector<16xf32>
        %add3A_492 = arith.constant 2 : i32
        %add3A_493 = vector.broadcast %add3A_492 : i32 to vector<16xi32>
        %add3A_494 = arith.addi %mul3A_133, %add3A_493 : vector<16xi32>
        %gather3A_495 = tpu.vector_load_idx %arg13[%add3A_494, %and3A_476] : memref<320x64xf32, #tpu.memory_space<vmem>>[vector<16xi32>, vector<16xi32>], vector<16xf32>,
        %mul3A_496 = arith.mulf %gather3A, %gather3A_495 : vector<16xf32>
        %add3A_497 = arith.addf %scan3A_455, %mul3A_496 : vector<16xf32>
        %add3A_498 = arith.constant 3 : i32
        %add3A_499 = vector.broadcast %add3A_498 : i32 to vector<16xi32>
        %add3A_500 = arith.addi %mul3A_133, %add3A_499 : vector<16xi32>
        %gather3A_501 = tpu.vector_load_idx %arg13[%add3A_500, %and3A_476] : memref<320x64xf32, #tpu.memory_space<vmem>>[vector<16xi32>, vector<16xi32>], vector<16xf32>,
        %mul3A_502 = arith.mulf %gather3A, %gather3A_501 : vector<16xf32>
        %add3A_503 = arith.addf %scan3A_456, %mul3A_502 : vector<16xf32>
        %add3A_504 = arith.constant 4 : i32
        %add3A_505 = vector.broadcast %add3A_504 : i32 to vector<16xi32>
        %add3A_506 = arith.addi %mul3A_133, %add3A_505 : vector<16xi32>
        %gather3A_507 = tpu.vector_load_idx %arg13[%add3A_506, %and3A_476] : memref<320x64xf32, #tpu.memory_space<vmem>>[vector<16xi32>, vector<16xi32>], vector<16xf32>,
        %mul3A_508 = arith.mulf %gather3A, %gather3A_507 : vector<16xf32>
        %add3A_509 = arith.addf %scan3A_457, %mul3A_508 : vector<16xf32>
        %add3A_510 = arith.constant 5 : i32
        %add3A_511 = vector.broadcast %add3A_510 : i32 to vector<16xi32>
        %add3A_512 = arith.addi %mul3A_133, %add3A_511 : vector<16xi32>
        %gather3A_513 = tpu.vector_load_idx %arg13[%add3A_512, %and3A_476] : memref<320x64xf32, #tpu.memory_space<vmem>>[vector<16xi32>, vector<16xi32>], vector<16xf32>,
        %mul3A_514 = arith.mulf %gather3A, %gather3A_513 : vector<16xf32>
        %add3A_515 = arith.addf %scan3A_458, %mul3A_514 : vector<16xf32>
        %add3A_516 = arith.constant 6 : i32
        %add3A_517 = vector.broadcast %add3A_516 : i32 to vector<16xi32>
        %add3A_518 = arith.addi %mul3A_133, %add3A_517 : vector<16xi32>
        %gather3A_519 = tpu.vector_load_idx %arg13[%add3A_518, %and3A_476] : memref<320x64xf32, #tpu.memory_space<vmem>>[vector<16xi32>, vector<16xi32>], vector<16xf32>,
        %mul3A_520 = arith.mulf %gather3A, %gather3A_519 : vector<16xf32>
        %add3A_521 = arith.addf %scan3A_459, %mul3A_520 : vector<16xf32>
        %add3A_522 = arith.constant 7 : i32
        %add3A_523 = vector.broadcast %add3A_522 : i32 to vector<16xi32>
        %add3A_524 = arith.addi %mul3A_133, %add3A_523 : vector<16xi32>
        %gather3A_525 = tpu.vector_load_idx %arg13[%add3A_524, %and3A_476] : memref<320x64xf32, #tpu.memory_space<vmem>>[vector<16xi32>, vector<16xi32>], vector<16xf32>,
        %mul3A_526 = arith.mulf %gather3A, %gather3A_525 : vector<16xf32>
        %add3A_527 = arith.addf %scan3A_460, %mul3A_526 : vector<16xf32>
        %add3A_528 = arith.constant 8 : i32
        %add3A_529 = vector.broadcast %add3A_528 : i32 to vector<16xi32>
        %add3A_530 = arith.addi %mul3A_133, %add3A_529 : vector<16xi32>
        %gather3A_531 = tpu.vector_load_idx %arg13[%add3A_530, %and3A_476] : memref<320x64xf32, #tpu.memory_space<vmem>>[vector<16xi32>, vector<16xi32>], vector<16xf32>,
        %mul3A_532 = arith.mulf %gather3A, %gather3A_531 : vector<16xf32>
        %add3A_533 = arith.addf %scan3A_461, %mul3A_532 : vector<16xf32>
        %add3A_534 = arith.constant 9 : i32
        %add3A_535 = vector.broadcast %add3A_534 : i32 to vector<16xi32>
        %add3A_536 = arith.addi %mul3A_133, %add3A_535 : vector<16xi32>
        %gather3A_537 = tpu.vector_load_idx %arg13[%add3A_536, %and3A_476] : memref<320x64xf32, #tpu.memory_space<vmem>>[vector<16xi32>, vector<16xi32>], vector<16xf32>,
        %mul3A_538 = arith.mulf %gather3A, %gather3A_537 : vector<16xf32>
        %add3A_539 = arith.addf %scan3A_462, %mul3A_538 : vector<16xf32>
        %add3A_540 = arith.constant 10 : i32
        %add3A_541 = vector.broadcast %add3A_540 : i32 to vector<16xi32>
        %add3A_542 = arith.addi %mul3A_133, %add3A_541 : vector<16xi32>
        %gather3A_543 = tpu.vector_load_idx %arg13[%add3A_542, %and3A_476] : memref<320x64xf32, #tpu.memory_space<vmem>>[vector<16xi32>, vector<16xi32>], vector<16xf32>,
        %mul3A_544 = arith.mulf %gather3A, %gather3A_543 : vector<16xf32>
        %add3A_545 = arith.addf %scan3A_463, %mul3A_544 : vector<16xf32>
        %add3A_546 = arith.constant 11 : i32
        %add3A_547 = vector.broadcast %add3A_546 : i32 to vector<16xi32>
        %add3A_548 = arith.addi %mul3A_133, %add3A_547 : vector<16xi32>
        %gather3A_549 = tpu.vector_load_idx %arg13[%add3A_548, %and3A_476] : memref<320x64xf32, #tpu.memory_space<vmem>>[vector<16xi32>, vector<16xi32>], vector<16xf32>,
        %mul3A_550 = arith.mulf %gather3A, %gather3A_549 : vector<16xf32>
        %add3A_551 = arith.addf %scan3A_464, %mul3A_550 : vector<16xf32>
        %add3A_552 = arith.constant 12 : i32
        %add3A_553 = vector.broadcast %add3A_552 : i32 to vector<16xi32>
        %add3A_554 = arith.addi %mul3A_133, %add3A_553 : vector<16xi32>
        %gather3A_555 = tpu.vector_load_idx %arg13[%add3A_554, %and3A_476] : memref<320x64xf32, #tpu.memory_space<vmem>>[vector<16xi32>, vector<16xi32>], vector<16xf32>,
        %mul3A_556 = arith.mulf %gather3A, %gather3A_555 : vector<16xf32>
        %add3A_557 = arith.addf %scan3A_465, %mul3A_556 : vector<16xf32>
        %add3A_558 = arith.constant 13 : i32
        %add3A_559 = vector.broadcast %add3A_558 : i32 to vector<16xi32>
        %add3A_560 = arith.addi %mul3A_133, %add3A_559 : vector<16xi32>
        %gather3A_561 = tpu.vector_load_idx %arg13[%add3A_560, %and3A_476] : memref<320x64xf32, #tpu.memory_space<vmem>>[vector<16xi32>, vector<16xi32>], vector<16xf32>,
        %mul3A_562 = arith.mulf %gather3A, %gather3A_561 : vector<16xf32>
        %add3A_563 = arith.addf %scan3A_466, %mul3A_562 : vector<16xf32>
        %add3A_564 = arith.constant 14 : i32
        %add3A_565 = vector.broadcast %add3A_564 : i32 to vector<16xi32>
        %add3A_566 = arith.addi %mul3A_133, %add3A_565 : vector<16xi32>
        %gather3A_567 = tpu.vector_load_idx %arg13[%add3A_566, %and3A_476] : memref<320x64xf32, #tpu.memory_space<vmem>>[vector<16xi32>, vector<16xi32>], vector<16xf32>,
        %mul3A_568 = arith.mulf %gather3A, %gather3A_567 : vector<16xf32>
        %add3A_569 = arith.addf %scan3A_467, %mul3A_568 : vector<16xf32>
        %add3A_570 = arith.constant 15 : i32
        %add3A_571 = vector.broadcast %add3A_570 : i32 to vector<16xi32>
        %add3A_572 = arith.addi %mul3A_133, %add3A_571 : vector<16xi32>
        %gather3A_573 = tpu.vector_load_idx %arg13[%add3A_572, %and3A_476] : memref<320x64xf32, #tpu.memory_space<vmem>>[vector<16xi32>, vector<16xi32>], vector<16xf32>,
        %mul3A_574 = arith.mulf %gather3A, %gather3A_573 : vector<16xf32>
        %add3A_575 = arith.addf %scan3A_468, %mul3A_574 : vector<16xf32>
        %add3A_576 = arith.constant 16 : i32
        %add3A_577 = vector.broadcast %add3A_576 : i32 to vector<16xi32>
        %add3A_578 = arith.addi %mul3A_133, %add3A_577 : vector<16xi32>
        %gather3A_579 = tpu.vector_load_idx %arg13[%add3A_578, %and3A_476] : memref<320x64xf32, #tpu.memory_space<vmem>>[vector<16xi32>, vector<16xi32>], vector<16xf32>,
        %mul3A_580 = arith.mulf %gather3A, %gather3A_579 : vector<16xf32>
        %add3A_581 = arith.addf %scan3A_469, %mul3A_580 : vector<16xf32>
        %add3A_582 = arith.constant 17 : i32
        %add3A_583 = vector.broadcast %add3A_582 : i32 to vector<16xi32>
        %add3A_584 = arith.addi %mul3A_133, %add3A_583 : vector<16xi32>
        %gather3A_585 = tpu.vector_load_idx %arg13[%add3A_584, %and3A_476] : memref<320x64xf32, #tpu.memory_space<vmem>>[vector<16xi32>, vector<16xi32>], vector<16xf32>,
        %mul3A_586 = arith.mulf %gather3A, %gather3A_585 : vector<16xf32>
        %add3A_587 = arith.addf %scan3A_470, %mul3A_586 : vector<16xf32>
        %add3A_588 = arith.constant 18 : i32
        %add3A_589 = vector.broadcast %add3A_588 : i32 to vector<16xi32>
        %add3A_590 = arith.addi %mul3A_133, %add3A_589 : vector<16xi32>
        %gather3A_591 = tpu.vector_load_idx %arg13[%add3A_590, %and3A_476] : memref<320x64xf32, #tpu.memory_space<vmem>>[vector<16xi32>, vector<16xi32>], vector<16xf32>,
        %mul3A_592 = arith.mulf %gather3A, %gather3A_591 : vector<16xf32>
        %add3A_593 = arith.addf %scan3A_471, %mul3A_592 : vector<16xf32>
        %add3A_594 = arith.constant 19 : i32
        %add3A_595 = vector.broadcast %add3A_594 : i32 to vector<16xi32>
        %add3A_596 = arith.addi %mul3A_133, %add3A_595 : vector<16xi32>
        %gather3A_597 = tpu.vector_load_idx %arg13[%add3A_596, %and3A_476] : memref<320x64xf32, #tpu.memory_space<vmem>>[vector<16xi32>, vector<16xi32>], vector<16xf32>,
        %mul3A_598 = arith.mulf %gather3A, %gather3A_597 : vector<16xf32>
        %add3A_599 = arith.addf %scan3A_472, %mul3A_598 : vector<16xf32>
        scf.yield %add3A_479, %add3A_485, %add3A_491, %add3A_497, %add3A_503, %add3A_509, %add3A_515, %add3A_521, %add3A_527, %add3A_533, %add3A_539, %add3A_545, %add3A_551, %add3A_557, %add3A_563, %add3A_569, %add3A_575, %add3A_581, %add3A_587, %add3A_593, %add3A_599 : vector<16xf32>, vector<16xf32>, vector<16xf32>, vector<16xf32>, vector<16xf32>, vector<16xf32>, vector<16xf32>, vector<16xf32>, vector<16xf32>, vector<16xf32>, vector<16xf32>, vector<16xf32>, vector<16xf32>, vector<16xf32>, vector<16xf32>, vector<16xf32>, vector<16xf32>, vector<16xf32>, vector<16xf32>, vector<16xf32>, vector<16xf32>
      }
      %scan3A_232 = arith.constant 64 : i32
      %mul3A_233 = arith.constant 16 : i32
      %mul3A_234 = arith.muli %mul3A_165, %mul3A_233 : i32
      %swap3A = arith.constant 0 : i32
      %swap3A_235 = arith.index_cast %swap3A : i32 to index
      %swap3A_236 = arith.index_cast %mul3A_234 : i32 to index
      %swap3A_237 = tpu.vector_load %arg15[%swap3A_235, %swap3A_236] {strides = array<i32>} : memref<21x512xf32, #tpu.memory_space<vmem>>, vector<16xf32>,
      tpu.vector_store %arg15[%swap3A_235, %swap3A_236], %scan3A_231#1 {strides = array<i32>} : memref<21x512xf32, #tpu.memory_space<vmem>>, vector<16xf32>,
      %swap3A_238 = arith.constant 1 : i32
      %swap3A_239 = arith.index_cast %swap3A_238 : i32 to index
      %swap3A_240 = arith.index_cast %mul3A_234 : i32 to index
      %swap3A_241 = tpu.vector_load %arg15[%swap3A_239, %swap3A_240] {strides = array<i32>} : memref<21x512xf32, #tpu.memory_space<vmem>>, vector<16xf32>,
      tpu.vector_store %arg15[%swap3A_239, %swap3A_240], %scan3A_231#2 {strides = array<i32>} : memref<21x512xf32, #tpu.memory_space<vmem>>, vector<16xf32>,
      %swap3A_242 = arith.constant 2 : i32
      %swap3A_243 = arith.index_cast %swap3A_242 : i32 to index
      %swap3A_244 = arith.index_cast %mul3A_234 : i32 to index
      %swap3A_245 = tpu.vector_load %arg15[%swap3A_243, %swap3A_244] {strides = array<i32>} : memref<21x512xf32, #tpu.memory_space<vmem>>, vector<16xf32>,
      tpu.vector_store %arg15[%swap3A_243, %swap3A_244], %scan3A_231#3 {strides = array<i32>} : memref<21x512xf32, #tpu.memory_space<vmem>>, vector<16xf32>,
      %swap3A_246 = arith.constant 3 : i32
      %swap3A_247 = arith.index_cast %swap3A_246 : i32 to index
      %swap3A_248 = arith.index_cast %mul3A_234 : i32 to index
      %swap3A_249 = tpu.vector_load %arg15[%swap3A_247, %swap3A_248] {strides = array<i32>} : memref<21x512xf32, #tpu.memory_space<vmem>>, vector<16xf32>,
      tpu.vector_store %arg15[%swap3A_247, %swap3A_248], %scan3A_231#4 {strides = array<i32>} : memref<21x512xf32, #tpu.memory_space<vmem>>, vector<16xf32>,
      %swap3A_250 = arith.constant 4 : i32
      %swap3A_251 = arith.index_cast %swap3A_250 : i32 to index
      %swap3A_252 = arith.index_cast %mul3A_234 : i32 to index
      %swap3A_253 = tpu.vector_load %arg15[%swap3A_251, %swap3A_252] {strides = array<i32>} : memref<21x512xf32, #tpu.memory_space<vmem>>, vector<16xf32>,
      tpu.vector_store %arg15[%swap3A_251, %swap3A_252], %scan3A_231#5 {strides = array<i32>} : memref<21x512xf32, #tpu.memory_space<vmem>>, vector<16xf32>,
      %swap3A_254 = arith.constant 5 : i32
      %swap3A_255 = arith.index_cast %swap3A_254 : i32 to index
      %swap3A_256 = arith.index_cast %mul3A_234 : i32 to index
      %swap3A_257 = tpu.vector_load %arg15[%swap3A_255, %swap3A_256] {strides = array<i32>} : memref<21x512xf32, #tpu.memory_space<vmem>>, vector<16xf32>,
      tpu.vector_store %arg15[%swap3A_255, %swap3A_256], %scan3A_231#6 {strides = array<i32>} : memref<21x512xf32, #tpu.memory_space<vmem>>, vector<16xf32>,
      %swap3A_258 = arith.constant 6 : i32
      %swap3A_259 = arith.index_cast %swap3A_258 : i32 to index
      %swap3A_260 = arith.index_cast %mul3A_234 : i32 to index
      %swap3A_261 = tpu.vector_load %arg15[%swap3A_259, %swap3A_260] {strides = array<i32>} : memref<21x512xf32, #tpu.memory_space<vmem>>, vector<16xf32>,
      tpu.vector_store %arg15[%swap3A_259, %swap3A_260], %scan3A_231#7 {strides = array<i32>} : memref<21x512xf32, #tpu.memory_space<vmem>>, vector<16xf32>,
      %swap3A_262 = arith.constant 7 : i32
      %swap3A_263 = arith.index_cast %swap3A_262 : i32 to index
      %swap3A_264 = arith.index_cast %mul3A_234 : i32 to index
      %swap3A_265 = tpu.vector_load %arg15[%swap3A_263, %swap3A_264] {strides = array<i32>} : memref<21x512xf32, #tpu.memory_space<vmem>>, vector<16xf32>,
      tpu.vector_store %arg15[%swap3A_263, %swap3A_264], %scan3A_231#8 {strides = array<i32>} : memref<21x512xf32, #tpu.memory_space<vmem>>, vector<16xf32>,
      %swap3A_266 = arith.constant 8 : i32
      %swap3A_267 = arith.index_cast %swap3A_266 : i32 to index
      %swap3A_268 = arith.index_cast %mul3A_234 : i32 to index
      %swap3A_269 = tpu.vector_load %arg15[%swap3A_267, %swap3A_268] {strides = array<i32>} : memref<21x512xf32, #tpu.memory_space<vmem>>, vector<16xf32>,
      tpu.vector_store %arg15[%swap3A_267, %swap3A_268], %scan3A_231#9 {strides = array<i32>} : memref<21x512xf32, #tpu.memory_space<vmem>>, vector<16xf32>,
      %swap3A_270 = arith.constant 9 : i32
      %swap3A_271 = arith.index_cast %swap3A_270 : i32 to index
      %swap3A_272 = arith.index_cast %mul3A_234 : i32 to index
      %swap3A_273 = tpu.vector_load %arg15[%swap3A_271, %swap3A_272] {strides = array<i32>} : memref<21x512xf32, #tpu.memory_space<vmem>>, vector<16xf32>,
      tpu.vector_store %arg15[%swap3A_271, %swap3A_272], %scan3A_231#10 {strides = array<i32>} : memref<21x512xf32, #tpu.memory_space<vmem>>, vector<16xf32>,
      %swap3A_274 = arith.constant 10 : i32
      %swap3A_275 = arith.index_cast %swap3A_274 : i32 to index
      %swap3A_276 = arith.index_cast %mul3A_234 : i32 to index
      %swap3A_277 = tpu.vector_load %arg15[%swap3A_275, %swap3A_276] {strides = array<i32>} : memref<21x512xf32, #tpu.memory_space<vmem>>, vector<16xf32>,
      tpu.vector_store %arg15[%swap3A_275, %swap3A_276], %scan3A_231#11 {strides = array<i32>} : memref<21x512xf32, #tpu.memory_space<vmem>>, vector<16xf32>,
      %swap3A_278 = arith.constant 11 : i32
      %swap3A_279 = arith.index_cast %swap3A_278 : i32 to index
      %swap3A_280 = arith.index_cast %mul3A_234 : i32 to index
      %swap3A_281 = tpu.vector_load %arg15[%swap3A_279, %swap3A_280] {strides = array<i32>} : memref<21x512xf32, #tpu.memory_space<vmem>>, vector<16xf32>,
      tpu.vector_store %arg15[%swap3A_279, %swap3A_280], %scan3A_231#12 {strides = array<i32>} : memref<21x512xf32, #tpu.memory_space<vmem>>, vector<16xf32>,
      %swap3A_282 = arith.constant 12 : i32
      %swap3A_283 = arith.index_cast %swap3A_282 : i32 to index
      %swap3A_284 = arith.index_cast %mul3A_234 : i32 to index
      %swap3A_285 = tpu.vector_load %arg15[%swap3A_283, %swap3A_284] {strides = array<i32>} : memref<21x512xf32, #tpu.memory_space<vmem>>, vector<16xf32>,
      tpu.vector_store %arg15[%swap3A_283, %swap3A_284], %scan3A_231#13 {strides = array<i32>} : memref<21x512xf32, #tpu.memory_space<vmem>>, vector<16xf32>,
      %swap3A_286 = arith.constant 13 : i32
      %swap3A_287 = arith.index_cast %swap3A_286 : i32 to index
      %swap3A_288 = arith.index_cast %mul3A_234 : i32 to index
      %swap3A_289 = tpu.vector_load %arg15[%swap3A_287, %swap3A_288] {strides = array<i32>} : memref<21x512xf32, #tpu.memory_space<vmem>>, vector<16xf32>,
      tpu.vector_store %arg15[%swap3A_287, %swap3A_288], %scan3A_231#14 {strides = array<i32>} : memref<21x512xf32, #tpu.memory_space<vmem>>, vector<16xf32>,
      %swap3A_290 = arith.constant 14 : i32
      %swap3A_291 = arith.index_cast %swap3A_290 : i32 to index
      %swap3A_292 = arith.index_cast %mul3A_234 : i32 to index
      %swap3A_293 = tpu.vector_load %arg15[%swap3A_291, %swap3A_292] {strides = array<i32>} : memref<21x512xf32, #tpu.memory_space<vmem>>, vector<16xf32>,
      tpu.vector_store %arg15[%swap3A_291, %swap3A_292], %scan3A_231#15 {strides = array<i32>} : memref<21x512xf32, #tpu.memory_space<vmem>>, vector<16xf32>,
      %swap3A_294 = arith.constant 15 : i32
      %swap3A_295 = arith.index_cast %swap3A_294 : i32 to index
      %swap3A_296 = arith.index_cast %mul3A_234 : i32 to index
      %swap3A_297 = tpu.vector_load %arg15[%swap3A_295, %swap3A_296] {strides = array<i32>} : memref<21x512xf32, #tpu.memory_space<vmem>>, vector<16xf32>,
      tpu.vector_store %arg15[%swap3A_295, %swap3A_296], %scan3A_231#16 {strides = array<i32>} : memref<21x512xf32, #tpu.memory_space<vmem>>, vector<16xf32>,
      %swap3A_298 = arith.constant 16 : i32
      %swap3A_299 = arith.index_cast %swap3A_298 : i32 to index
      %swap3A_300 = arith.index_cast %mul3A_234 : i32 to index
      %swap3A_301 = tpu.vector_load %arg15[%swap3A_299, %swap3A_300] {strides = array<i32>} : memref<21x512xf32, #tpu.memory_space<vmem>>, vector<16xf32>,
      tpu.vector_store %arg15[%swap3A_299, %swap3A_300], %scan3A_231#17 {strides = array<i32>} : memref<21x512xf32, #tpu.memory_space<vmem>>, vector<16xf32>,
      %swap3A_302 = arith.constant 17 : i32
      %swap3A_303 = arith.index_cast %swap3A_302 : i32 to index
      %swap3A_304 = arith.index_cast %mul3A_234 : i32 to index
      %swap3A_305 = tpu.vector_load %arg15[%swap3A_303, %swap3A_304] {strides = array<i32>} : memref<21x512xf32, #tpu.memory_space<vmem>>, vector<16xf32>,
      tpu.vector_store %arg15[%swap3A_303, %swap3A_304], %scan3A_231#18 {strides = array<i32>} : memref<21x512xf32, #tpu.memory_space<vmem>>, vector<16xf32>,
      %swap3A_306 = arith.constant 18 : i32
      %swap3A_307 = arith.index_cast %swap3A_306 : i32 to index
      %swap3A_308 = arith.index_cast %mul3A_234 : i32 to index
      %swap3A_309 = tpu.vector_load %arg15[%swap3A_307, %swap3A_308] {strides = array<i32>} : memref<21x512xf32, #tpu.memory_space<vmem>>, vector<16xf32>,
      tpu.vector_store %arg15[%swap3A_307, %swap3A_308], %scan3A_231#19 {strides = array<i32>} : memref<21x512xf32, #tpu.memory_space<vmem>>, vector<16xf32>,
      %swap3A_310 = arith.constant 19 : i32
      %swap3A_311 = arith.index_cast %swap3A_310 : i32 to index
      %swap3A_312 = arith.index_cast %mul3A_234 : i32 to index
      %swap3A_313 = tpu.vector_load %arg15[%swap3A_311, %swap3A_312] {strides = array<i32>} : memref<21x512xf32, #tpu.memory_space<vmem>>, vector<16xf32>,
      tpu.vector_store %arg15[%swap3A_311, %swap3A_312], %scan3A_231#20 {strides = array<i32>} : memref<21x512xf32, #tpu.memory_space<vmem>>, vector<16xf32>,
      %swap3A_314 = arith.constant 20 : i32
      %swap3A_315 = arith.index_cast %swap3A_314 : i32 to index
      %swap3A_316 = arith.index_cast %mul3A_234 : i32 to index
      %swap3A_317 = tpu.vector_load %arg15[%swap3A_315, %swap3A_316] {strides = array<i32>} : memref<21x512xf32, #tpu.memory_space<vmem>>, vector<16xf32>,
      tpu.vector_store %arg15[%swap3A_315, %swap3A_316], %scan3A_231#0 {strides = array<i32>} : memref<21x512xf32, #tpu.memory_space<vmem>>, vector<16xf32>,
      %add3A_318 = arith.constant 2 : i32
      %add3A_319 = arith.addi %mul3A_165, %add3A_318 : i32
      %lt3A = arith.constant 32 : i32
      %lt3A_320 = arith.cmpi slt, %add3A_319, %lt3A : i32
      %convert_element_type3A = arith.extui %lt3A_320 : i1 to i32
      %cond3A = arith.constant 0 : i32
      %cond3A_321 = arith.cmpi ne, %convert_element_type3A, %cond3A : i32
      scf.if %cond3A_321 {
        %add3A_451 = arith.constant 2 : i32
        %add3A_452 = arith.addi %mul3A_165, %add3A_451 : i32
        %mul3A_453 = arith.constant 320 : i32
        %mul3A_454 = arith.muli %add3A_452, %mul3A_453 : i32
        %dma_start3A_455 = arith.constant 0 : i32
        %dma_start3A_456 = arith.constant 0 : i32
        %dma_start3A_457 = tpu.memref_slice %arg13[%dma_start3A_455, %dma_start3A_456] : memref<320x64xf32, #tpu.memory_space<vmem>> -> memref<128x64xf32, #tpu.memory_space<vmem>>
        %dma_start3A_458 = tpu.memref_slice %arg10[%mul3A_454] : memref<10240xi32, #tpu.memory_space<vmem>> -> memref<128xi32, #tpu.memory_space<vmem>>
        %dma_start3A_459 = arith.constant 0 : i32
        %dma_start3A_460 = arith.constant 0 : i32
        %dma_start3A_461 = tpu.memref_slice %arg3[%dma_start3A_459, %dma_start3A_460] : memref<100000x64xf32, #tpu.memory_space<hbm>> -> memref<100000x64xf32, #tpu.memory_space<hbm>>
        tpu.enqueue_indirect_dma source(%dma_start3A_461 : memref<100000x64xf32, #tpu.memory_space<hbm>>) target(%dma_start3A_457 : memref<128x64xf32, #tpu.memory_space<vmem>>) offsets(%dma_start3A_458 : memref<128xi32, #tpu.memory_space<vmem>>) semaphore(%arg17 : memref<!tpu.dma_semaphore, #tpu.memory_space<semaphore_mem>>)
        %add3A_462 = arith.constant 128 : i32
        %add3A_463 = arith.addi %mul3A_454, %add3A_462 : i32
        %dma_start3A_464 = arith.constant 128 : i32
        %dma_start3A_465 = arith.constant 0 : i32
        %dma_start3A_466 = tpu.memref_slice %arg13[%dma_start3A_464, %dma_start3A_465] : memref<320x64xf32, #tpu.memory_space<vmem>> -> memref<128x64xf32, #tpu.memory_space<vmem>>
        %dma_start3A_467 = tpu.memref_slice %arg10[%add3A_463] : memref<10240xi32, #tpu.memory_space<vmem>> -> memref<128xi32, #tpu.memory_space<vmem>>
        %dma_start3A_468 = arith.constant 0 : i32
        %dma_start3A_469 = arith.constant 0 : i32
        %dma_start3A_470 = tpu.memref_slice %arg3[%dma_start3A_468, %dma_start3A_469] : memref<100000x64xf32, #tpu.memory_space<hbm>> -> memref<100000x64xf32, #tpu.memory_space<hbm>>
        tpu.enqueue_indirect_dma source(%dma_start3A_470 : memref<100000x64xf32, #tpu.memory_space<hbm>>) target(%dma_start3A_466 : memref<128x64xf32, #tpu.memory_space<vmem>>) offsets(%dma_start3A_467 : memref<128xi32, #tpu.memory_space<vmem>>) semaphore(%arg17 : memref<!tpu.dma_semaphore, #tpu.memory_space<semaphore_mem>>)
        %add3A_471 = arith.constant 256 : i32
        %add3A_472 = arith.addi %mul3A_454, %add3A_471 : i32
        %dma_start3A_473 = arith.constant 256 : i32
        %dma_start3A_474 = arith.constant 0 : i32
        %dma_start3A_475 = tpu.memref_slice %arg13[%dma_start3A_473, %dma_start3A_474] : memref<320x64xf32, #tpu.memory_space<vmem>> -> memref<64x64xf32, #tpu.memory_space<vmem>>
        %dma_start3A_476 = tpu.memref_slice %arg10[%add3A_472] : memref<10240xi32, #tpu.memory_space<vmem>> -> memref<64xi32, #tpu.memory_space<vmem>>
        %dma_start3A_477 = arith.constant 0 : i32
        %dma_start3A_478 = arith.constant 0 : i32
        %dma_start3A_479 = tpu.memref_slice %arg3[%dma_start3A_477, %dma_start3A_478] : memref<100000x64xf32, #tpu.memory_space<hbm>> -> memref<100000x64xf32, #tpu.memory_space<hbm>>
        tpu.enqueue_indirect_dma source(%dma_start3A_479 : memref<100000x64xf32, #tpu.memory_space<hbm>>) target(%dma_start3A_475 : memref<64x64xf32, #tpu.memory_space<vmem>>) offsets(%dma_start3A_476 : memref<64xi32, #tpu.memory_space<vmem>>) semaphore(%arg17 : memref<!tpu.dma_semaphore, #tpu.memory_space<semaphore_mem>>)
      } else {
      }
      %add3A_322 = arith.constant 1 : i32
      %add3A_323 = arith.addi %mul3A_165, %add3A_322 : i32
      %mul3A_324 = arith.constant 320 : i32
      %mul3A_325 = arith.muli %add3A_323, %mul3A_324 : i32
      %dma_wait3A_326 = arith.constant 0 : i32
      %dma_wait3A_327 = arith.constant 0 : i32
      %dma_wait3A_328 = tpu.memref_slice %arg14[%dma_wait3A_326, %dma_wait3A_327] : memref<320x64xf32, #tpu.memory_space<vmem>> -> memref<128x64xf32, #tpu.memory_space<vmem>>
      %dma_wait3A_329 = tpu.memref_slice %arg10[%mul3A_325] : memref<10240xi32, #tpu.memory_space<vmem>> -> memref<128xi32, #tpu.memory_space<vmem>>
      %dma_wait3A_330 = arith.constant 0 : i32
      %dma_wait3A_331 = arith.constant 0 : i32
      %dma_wait3A_332 = tpu.memref_slice %arg3[%dma_wait3A_330, %dma_wait3A_331] : memref<100000x64xf32, #tpu.memory_space<hbm>> -> memref<100000x64xf32, #tpu.memory_space<hbm>>
      tpu.wait_indirect_dma semaphore(%arg18 : memref<!tpu.dma_semaphore, #tpu.memory_space<semaphore_mem>>) src(%dma_wait3A_332 : memref<100000x64xf32, #tpu.memory_space<hbm>>) dst(%dma_wait3A_328 : memref<128x64xf32, #tpu.memory_space<vmem>>)
      %add3A_333 = arith.constant 128 : i32
      %add3A_334 = arith.addi %mul3A_325, %add3A_333 : i32
      %dma_wait3A_335 = arith.constant 128 : i32
      %dma_wait3A_336 = arith.constant 0 : i32
      %dma_wait3A_337 = tpu.memref_slice %arg14[%dma_wait3A_335, %dma_wait3A_336] : memref<320x64xf32, #tpu.memory_space<vmem>> -> memref<128x64xf32, #tpu.memory_space<vmem>>
      %dma_wait3A_338 = tpu.memref_slice %arg10[%add3A_334] : memref<10240xi32, #tpu.memory_space<vmem>> -> memref<128xi32, #tpu.memory_space<vmem>>
      %dma_wait3A_339 = arith.constant 0 : i32
      %dma_wait3A_340 = arith.constant 0 : i32
      %dma_wait3A_341 = tpu.memref_slice %arg3[%dma_wait3A_339, %dma_wait3A_340] : memref<100000x64xf32, #tpu.memory_space<hbm>> -> memref<100000x64xf32, #tpu.memory_space<hbm>>
      tpu.wait_indirect_dma semaphore(%arg18 : memref<!tpu.dma_semaphore, #tpu.memory_space<semaphore_mem>>) src(%dma_wait3A_341 : memref<100000x64xf32, #tpu.memory_space<hbm>>) dst(%dma_wait3A_337 : memref<128x64xf32, #tpu.memory_space<vmem>>)
      %add3A_342 = arith.constant 256 : i32
      %add3A_343 = arith.addi %mul3A_325, %add3A_342 : i32
      %dma_wait3A_344 = arith.constant 256 : i32
      %dma_wait3A_345 = arith.constant 0 : i32
      %dma_wait3A_346 = tpu.memref_slice %arg14[%dma_wait3A_344, %dma_wait3A_345] : memref<320x64xf32, #tpu.memory_space<vmem>> -> memref<64x64xf32, #tpu.memory_space<vmem>>
      %dma_wait3A_347 = tpu.memref_slice %arg10[%add3A_343] : memref<10240xi32, #tpu.memory_space<vmem>> -> memref<64xi32, #tpu.memory_space<vmem>>
      %dma_wait3A_348 = arith.constant 0 : i32
      %dma_wait3A_349 = arith.constant 0 : i32
      %dma_wait3A_350 = tpu.memref_slice %arg3[%dma_wait3A_348, %dma_wait3A_349] : memref<100000x64xf32, #tpu.memory_space<hbm>> -> memref<100000x64xf32, #tpu.memory_space<hbm>>
      tpu.wait_indirect_dma semaphore(%arg18 : memref<!tpu.dma_semaphore, #tpu.memory_space<semaphore_mem>>) src(%dma_wait3A_350 : memref<100000x64xf32, #tpu.memory_space<hbm>>) dst(%dma_wait3A_346 : memref<64x64xf32, #tpu.memory_space<vmem>>)
      %add3A_351 = arith.constant 1 : i32
      %add3A_352 = arith.addi %mul3A_165, %add3A_351 : i32
      %mul3A_353 = arith.constant 16 : i32
      %mul3A_354 = arith.muli %add3A_352, %mul3A_353 : i32
      %add3A_355 = vector.broadcast %mul3A_354 : i32 to vector<16xi32>
      %add3A_356 = arith.addi %iota3A, %add3A_355 : vector<16xi32>
      %broadcast_in_dim3A_357 = arith.constant 0.000000e+00 : f32
      %broadcast_in_dim3A_358 = vector.broadcast %broadcast_in_dim3A_357 : f32 to vector<16xf32>
      %scan3A_359 = arith.constant 0 : i32
      %scan3A_360 = arith.constant 64 : i32
      %scan3A_361 = arith.addi %scan3A_359, %scan3A_360 : i32
      %scan3A_362 = arith.constant 1 : i32
      %scan3A_363:21 = scf.for %scan3A_451 = %scan3A_359 to %scan3A_361 step %scan3A_362 iter_args(%scan3A_452 = %broadcast_in_dim3A_358, %scan3A_453 = %broadcast_in_dim3A_358, %scan3A_454 = %broadcast_in_dim3A_358, %scan3A_455 = %broadcast_in_dim3A_358, %scan3A_456 = %broadcast_in_dim3A_358, %scan3A_457 = %broadcast_in_dim3A_358, %scan3A_458 = %broadcast_in_dim3A_358, %scan3A_459 = %broadcast_in_dim3A_358, %scan3A_460 = %broadcast_in_dim3A_358, %scan3A_461 = %broadcast_in_dim3A_358, %scan3A_462 = %broadcast_in_dim3A_358, %scan3A_463 = %broadcast_in_dim3A_358, %scan3A_464 = %broadcast_in_dim3A_358, %scan3A_465 = %broadcast_in_dim3A_358, %scan3A_466 = %broadcast_in_dim3A_358, %scan3A_467 = %broadcast_in_dim3A_358, %scan3A_468 = %broadcast_in_dim3A_358, %scan3A_469 = %broadcast_in_dim3A_358, %scan3A_470 = %broadcast_in_dim3A_358, %scan3A_471 = %broadcast_in_dim3A_358, %scan3A_472 = %broadcast_in_dim3A_358) -> (vector<16xf32>, vector<16xf32>, vector<16xf32>, vector<16xf32>, vector<16xf32>, vector<16xf32>, vector<16xf32>, vector<16xf32>, vector<16xf32>, vector<16xf32>, vector<16xf32>, vector<16xf32>, vector<16xf32>, vector<16xf32>, vector<16xf32>, vector<16xf32>, vector<16xf32>, vector<16xf32>, vector<16xf32>, vector<16xf32>, vector<16xf32>)  : i32 {
        %add3A_473 = vector.broadcast %scan3A_451 : i32 to vector<16xi32>
        %add3A_474 = arith.addi %iota3A, %add3A_473 : vector<16xi32>
        %and3A = arith.constant 63 : i32
        %and3A_475 = vector.broadcast %and3A : i32 to vector<16xi32>
        %and3A_476 = arith.andi %add3A_474, %and3A_475 : vector<16xi32>
        %gather3A = tpu.vector_load_idx %arg11[%add3A_356, %and3A_476] : memref<512x64xf32, #tpu.memory_space<vmem>>[vector<16xi32>, vector<16xi32>], vector<16xf32>,
        %gather3A_477 = tpu.vector_load_idx %arg12[%add3A_356, %and3A_476] : memref<512x64xf32, #tpu.memory_space<vmem>>[vector<16xi32>, vector<16xi32>], vector<16xf32>,
        %mul3A_478 = arith.mulf %gather3A, %gather3A_477 : vector<16xf32>
        %add3A_479 = arith.addf %scan3A_452, %mul3A_478 : vector<16xf32>
        %add3A_480 = arith.constant 0 : i32
        %add3A_481 = vector.broadcast %add3A_480 : i32 to vector<16xi32>
        %add3A_482 = arith.addi %mul3A_133, %add3A_481 : vector<16xi32>
        %gather3A_483 = tpu.vector_load_idx %arg14[%add3A_482, %and3A_476] : memref<320x64xf32, #tpu.memory_space<vmem>>[vector<16xi32>, vector<16xi32>], vector<16xf32>,
        %mul3A_484 = arith.mulf %gather3A, %gather3A_483 : vector<16xf32>
        %add3A_485 = arith.addf %scan3A_453, %mul3A_484 : vector<16xf32>
        %add3A_486 = arith.constant 1 : i32
        %add3A_487 = vector.broadcast %add3A_486 : i32 to vector<16xi32>
        %add3A_488 = arith.addi %mul3A_133, %add3A_487 : vector<16xi32>
        %gather3A_489 = tpu.vector_load_idx %arg14[%add3A_488, %and3A_476] : memref<320x64xf32, #tpu.memory_space<vmem>>[vector<16xi32>, vector<16xi32>], vector<16xf32>,
        %mul3A_490 = arith.mulf %gather3A, %gather3A_489 : vector<16xf32>
        %add3A_491 = arith.addf %scan3A_454, %mul3A_490 : vector<16xf32>
        %add3A_492 = arith.constant 2 : i32
        %add3A_493 = vector.broadcast %add3A_492 : i32 to vector<16xi32>
        %add3A_494 = arith.addi %mul3A_133, %add3A_493 : vector<16xi32>
        %gather3A_495 = tpu.vector_load_idx %arg14[%add3A_494, %and3A_476] : memref<320x64xf32, #tpu.memory_space<vmem>>[vector<16xi32>, vector<16xi32>], vector<16xf32>,
        %mul3A_496 = arith.mulf %gather3A, %gather3A_495 : vector<16xf32>
        %add3A_497 = arith.addf %scan3A_455, %mul3A_496 : vector<16xf32>
        %add3A_498 = arith.constant 3 : i32
        %add3A_499 = vector.broadcast %add3A_498 : i32 to vector<16xi32>
        %add3A_500 = arith.addi %mul3A_133, %add3A_499 : vector<16xi32>
        %gather3A_501 = tpu.vector_load_idx %arg14[%add3A_500, %and3A_476] : memref<320x64xf32, #tpu.memory_space<vmem>>[vector<16xi32>, vector<16xi32>], vector<16xf32>,
        %mul3A_502 = arith.mulf %gather3A, %gather3A_501 : vector<16xf32>
        %add3A_503 = arith.addf %scan3A_456, %mul3A_502 : vector<16xf32>
        %add3A_504 = arith.constant 4 : i32
        %add3A_505 = vector.broadcast %add3A_504 : i32 to vector<16xi32>
        %add3A_506 = arith.addi %mul3A_133, %add3A_505 : vector<16xi32>
        %gather3A_507 = tpu.vector_load_idx %arg14[%add3A_506, %and3A_476] : memref<320x64xf32, #tpu.memory_space<vmem>>[vector<16xi32>, vector<16xi32>], vector<16xf32>,
        %mul3A_508 = arith.mulf %gather3A, %gather3A_507 : vector<16xf32>
        %add3A_509 = arith.addf %scan3A_457, %mul3A_508 : vector<16xf32>
        %add3A_510 = arith.constant 5 : i32
        %add3A_511 = vector.broadcast %add3A_510 : i32 to vector<16xi32>
        %add3A_512 = arith.addi %mul3A_133, %add3A_511 : vector<16xi32>
        %gather3A_513 = tpu.vector_load_idx %arg14[%add3A_512, %and3A_476] : memref<320x64xf32, #tpu.memory_space<vmem>>[vector<16xi32>, vector<16xi32>], vector<16xf32>,
        %mul3A_514 = arith.mulf %gather3A, %gather3A_513 : vector<16xf32>
        %add3A_515 = arith.addf %scan3A_458, %mul3A_514 : vector<16xf32>
        %add3A_516 = arith.constant 6 : i32
        %add3A_517 = vector.broadcast %add3A_516 : i32 to vector<16xi32>
        %add3A_518 = arith.addi %mul3A_133, %add3A_517 : vector<16xi32>
        %gather3A_519 = tpu.vector_load_idx %arg14[%add3A_518, %and3A_476] : memref<320x64xf32, #tpu.memory_space<vmem>>[vector<16xi32>, vector<16xi32>], vector<16xf32>,
        %mul3A_520 = arith.mulf %gather3A, %gather3A_519 : vector<16xf32>
        %add3A_521 = arith.addf %scan3A_459, %mul3A_520 : vector<16xf32>
        %add3A_522 = arith.constant 7 : i32
        %add3A_523 = vector.broadcast %add3A_522 : i32 to vector<16xi32>
        %add3A_524 = arith.addi %mul3A_133, %add3A_523 : vector<16xi32>
        %gather3A_525 = tpu.vector_load_idx %arg14[%add3A_524, %and3A_476] : memref<320x64xf32, #tpu.memory_space<vmem>>[vector<16xi32>, vector<16xi32>], vector<16xf32>,
        %mul3A_526 = arith.mulf %gather3A, %gather3A_525 : vector<16xf32>
        %add3A_527 = arith.addf %scan3A_460, %mul3A_526 : vector<16xf32>
        %add3A_528 = arith.constant 8 : i32
        %add3A_529 = vector.broadcast %add3A_528 : i32 to vector<16xi32>
        %add3A_530 = arith.addi %mul3A_133, %add3A_529 : vector<16xi32>
        %gather3A_531 = tpu.vector_load_idx %arg14[%add3A_530, %and3A_476] : memref<320x64xf32, #tpu.memory_space<vmem>>[vector<16xi32>, vector<16xi32>], vector<16xf32>,
        %mul3A_532 = arith.mulf %gather3A, %gather3A_531 : vector<16xf32>
        %add3A_533 = arith.addf %scan3A_461, %mul3A_532 : vector<16xf32>
        %add3A_534 = arith.constant 9 : i32
        %add3A_535 = vector.broadcast %add3A_534 : i32 to vector<16xi32>
        %add3A_536 = arith.addi %mul3A_133, %add3A_535 : vector<16xi32>
        %gather3A_537 = tpu.vector_load_idx %arg14[%add3A_536, %and3A_476] : memref<320x64xf32, #tpu.memory_space<vmem>>[vector<16xi32>, vector<16xi32>], vector<16xf32>,
        %mul3A_538 = arith.mulf %gather3A, %gather3A_537 : vector<16xf32>
        %add3A_539 = arith.addf %scan3A_462, %mul3A_538 : vector<16xf32>
        %add3A_540 = arith.constant 10 : i32
        %add3A_541 = vector.broadcast %add3A_540 : i32 to vector<16xi32>
        %add3A_542 = arith.addi %mul3A_133, %add3A_541 : vector<16xi32>
        %gather3A_543 = tpu.vector_load_idx %arg14[%add3A_542, %and3A_476] : memref<320x64xf32, #tpu.memory_space<vmem>>[vector<16xi32>, vector<16xi32>], vector<16xf32>,
        %mul3A_544 = arith.mulf %gather3A, %gather3A_543 : vector<16xf32>
        %add3A_545 = arith.addf %scan3A_463, %mul3A_544 : vector<16xf32>
        %add3A_546 = arith.constant 11 : i32
        %add3A_547 = vector.broadcast %add3A_546 : i32 to vector<16xi32>
        %add3A_548 = arith.addi %mul3A_133, %add3A_547 : vector<16xi32>
        %gather3A_549 = tpu.vector_load_idx %arg14[%add3A_548, %and3A_476] : memref<320x64xf32, #tpu.memory_space<vmem>>[vector<16xi32>, vector<16xi32>], vector<16xf32>,
        %mul3A_550 = arith.mulf %gather3A, %gather3A_549 : vector<16xf32>
        %add3A_551 = arith.addf %scan3A_464, %mul3A_550 : vector<16xf32>
        %add3A_552 = arith.constant 12 : i32
        %add3A_553 = vector.broadcast %add3A_552 : i32 to vector<16xi32>
        %add3A_554 = arith.addi %mul3A_133, %add3A_553 : vector<16xi32>
        %gather3A_555 = tpu.vector_load_idx %arg14[%add3A_554, %and3A_476] : memref<320x64xf32, #tpu.memory_space<vmem>>[vector<16xi32>, vector<16xi32>], vector<16xf32>,
        %mul3A_556 = arith.mulf %gather3A, %gather3A_555 : vector<16xf32>
        %add3A_557 = arith.addf %scan3A_465, %mul3A_556 : vector<16xf32>
        %add3A_558 = arith.constant 13 : i32
        %add3A_559 = vector.broadcast %add3A_558 : i32 to vector<16xi32>
        %add3A_560 = arith.addi %mul3A_133, %add3A_559 : vector<16xi32>
        %gather3A_561 = tpu.vector_load_idx %arg14[%add3A_560, %and3A_476] : memref<320x64xf32, #tpu.memory_space<vmem>>[vector<16xi32>, vector<16xi32>], vector<16xf32>,
        %mul3A_562 = arith.mulf %gather3A, %gather3A_561 : vector<16xf32>
        %add3A_563 = arith.addf %scan3A_466, %mul3A_562 : vector<16xf32>
        %add3A_564 = arith.constant 14 : i32
        %add3A_565 = vector.broadcast %add3A_564 : i32 to vector<16xi32>
        %add3A_566 = arith.addi %mul3A_133, %add3A_565 : vector<16xi32>
        %gather3A_567 = tpu.vector_load_idx %arg14[%add3A_566, %and3A_476] : memref<320x64xf32, #tpu.memory_space<vmem>>[vector<16xi32>, vector<16xi32>], vector<16xf32>,
        %mul3A_568 = arith.mulf %gather3A, %gather3A_567 : vector<16xf32>
        %add3A_569 = arith.addf %scan3A_467, %mul3A_568 : vector<16xf32>
        %add3A_570 = arith.constant 15 : i32
        %add3A_571 = vector.broadcast %add3A_570 : i32 to vector<16xi32>
        %add3A_572 = arith.addi %mul3A_133, %add3A_571 : vector<16xi32>
        %gather3A_573 = tpu.vector_load_idx %arg14[%add3A_572, %and3A_476] : memref<320x64xf32, #tpu.memory_space<vmem>>[vector<16xi32>, vector<16xi32>], vector<16xf32>,
        %mul3A_574 = arith.mulf %gather3A, %gather3A_573 : vector<16xf32>
        %add3A_575 = arith.addf %scan3A_468, %mul3A_574 : vector<16xf32>
        %add3A_576 = arith.constant 16 : i32
        %add3A_577 = vector.broadcast %add3A_576 : i32 to vector<16xi32>
        %add3A_578 = arith.addi %mul3A_133, %add3A_577 : vector<16xi32>
        %gather3A_579 = tpu.vector_load_idx %arg14[%add3A_578, %and3A_476] : memref<320x64xf32, #tpu.memory_space<vmem>>[vector<16xi32>, vector<16xi32>], vector<16xf32>,
        %mul3A_580 = arith.mulf %gather3A, %gather3A_579 : vector<16xf32>
        %add3A_581 = arith.addf %scan3A_469, %mul3A_580 : vector<16xf32>
        %add3A_582 = arith.constant 17 : i32
        %add3A_583 = vector.broadcast %add3A_582 : i32 to vector<16xi32>
        %add3A_584 = arith.addi %mul3A_133, %add3A_583 : vector<16xi32>
        %gather3A_585 = tpu.vector_load_idx %arg14[%add3A_584, %and3A_476] : memref<320x64xf32, #tpu.memory_space<vmem>>[vector<16xi32>, vector<16xi32>], vector<16xf32>,
        %mul3A_586 = arith.mulf %gather3A, %gather3A_585 : vector<16xf32>
        %add3A_587 = arith.addf %scan3A_470, %mul3A_586 : vector<16xf32>
        %add3A_588 = arith.constant 18 : i32
        %add3A_589 = vector.broadcast %add3A_588 : i32 to vector<16xi32>
        %add3A_590 = arith.addi %mul3A_133, %add3A_589 : vector<16xi32>
        %gather3A_591 = tpu.vector_load_idx %arg14[%add3A_590, %and3A_476] : memref<320x64xf32, #tpu.memory_space<vmem>>[vector<16xi32>, vector<16xi32>], vector<16xf32>,
        %mul3A_592 = arith.mulf %gather3A, %gather3A_591 : vector<16xf32>
        %add3A_593 = arith.addf %scan3A_471, %mul3A_592 : vector<16xf32>
        %add3A_594 = arith.constant 19 : i32
        %add3A_595 = vector.broadcast %add3A_594 : i32 to vector<16xi32>
        %add3A_596 = arith.addi %mul3A_133, %add3A_595 : vector<16xi32>
        %gather3A_597 = tpu.vector_load_idx %arg14[%add3A_596, %and3A_476] : memref<320x64xf32, #tpu.memory_space<vmem>>[vector<16xi32>, vector<16xi32>], vector<16xf32>,
        %mul3A_598 = arith.mulf %gather3A, %gather3A_597 : vector<16xf32>
        %add3A_599 = arith.addf %scan3A_472, %mul3A_598 : vector<16xf32>
        scf.yield %add3A_479, %add3A_485, %add3A_491, %add3A_497, %add3A_503, %add3A_509, %add3A_515, %add3A_521, %add3A_527, %add3A_533, %add3A_539, %add3A_545, %add3A_551, %add3A_557, %add3A_563, %add3A_569, %add3A_575, %add3A_581, %add3A_587, %add3A_593, %add3A_599 : vector<16xf32>, vector<16xf32>, vector<16xf32>, vector<16xf32>, vector<16xf32>, vector<16xf32>, vector<16xf32>, vector<16xf32>, vector<16xf32>, vector<16xf32>, vector<16xf32>, vector<16xf32>, vector<16xf32>, vector<16xf32>, vector<16xf32>, vector<16xf32>, vector<16xf32>, vector<16xf32>, vector<16xf32>, vector<16xf32>, vector<16xf32>
      }
      %scan3A_364 = arith.constant 64 : i32
      %mul3A_365 = arith.constant 16 : i32
      %mul3A_366 = arith.muli %add3A_352, %mul3A_365 : i32
      %swap3A_367 = arith.constant 0 : i32
      %swap3A_368 = arith.index_cast %swap3A_367 : i32 to index
      %swap3A_369 = arith.index_cast %mul3A_366 : i32 to index
      %swap3A_370 = tpu.vector_load %arg15[%swap3A_368, %swap3A_369] {strides = array<i32>} : memref<21x512xf32, #tpu.memory_space<vmem>>, vector<16xf32>,
      tpu.vector_store %arg15[%swap3A_368, %swap3A_369], %scan3A_363#1 {strides = array<i32>} : memref<21x512xf32, #tpu.memory_space<vmem>>, vector<16xf32>,
      %swap3A_371 = arith.constant 1 : i32
      %swap3A_372 = arith.index_cast %swap3A_371 : i32 to index
      %swap3A_373 = arith.index_cast %mul3A_366 : i32 to index
      %swap3A_374 = tpu.vector_load %arg15[%swap3A_372, %swap3A_373] {strides = array<i32>} : memref<21x512xf32, #tpu.memory_space<vmem>>, vector<16xf32>,
      tpu.vector_store %arg15[%swap3A_372, %swap3A_373], %scan3A_363#2 {strides = array<i32>} : memref<21x512xf32, #tpu.memory_space<vmem>>, vector<16xf32>,
      %swap3A_375 = arith.constant 2 : i32
      %swap3A_376 = arith.index_cast %swap3A_375 : i32 to index
      %swap3A_377 = arith.index_cast %mul3A_366 : i32 to index
      %swap3A_378 = tpu.vector_load %arg15[%swap3A_376, %swap3A_377] {strides = array<i32>} : memref<21x512xf32, #tpu.memory_space<vmem>>, vector<16xf32>,
      tpu.vector_store %arg15[%swap3A_376, %swap3A_377], %scan3A_363#3 {strides = array<i32>} : memref<21x512xf32, #tpu.memory_space<vmem>>, vector<16xf32>,
      %swap3A_379 = arith.constant 3 : i32
      %swap3A_380 = arith.index_cast %swap3A_379 : i32 to index
      %swap3A_381 = arith.index_cast %mul3A_366 : i32 to index
      %swap3A_382 = tpu.vector_load %arg15[%swap3A_380, %swap3A_381] {strides = array<i32>} : memref<21x512xf32, #tpu.memory_space<vmem>>, vector<16xf32>,
      tpu.vector_store %arg15[%swap3A_380, %swap3A_381], %scan3A_363#4 {strides = array<i32>} : memref<21x512xf32, #tpu.memory_space<vmem>>, vector<16xf32>,
      %swap3A_383 = arith.constant 4 : i32
      %swap3A_384 = arith.index_cast %swap3A_383 : i32 to index
      %swap3A_385 = arith.index_cast %mul3A_366 : i32 to index
      %swap3A_386 = tpu.vector_load %arg15[%swap3A_384, %swap3A_385] {strides = array<i32>} : memref<21x512xf32, #tpu.memory_space<vmem>>, vector<16xf32>,
      tpu.vector_store %arg15[%swap3A_384, %swap3A_385], %scan3A_363#5 {strides = array<i32>} : memref<21x512xf32, #tpu.memory_space<vmem>>, vector<16xf32>,
      %swap3A_387 = arith.constant 5 : i32
      %swap3A_388 = arith.index_cast %swap3A_387 : i32 to index
      %swap3A_389 = arith.index_cast %mul3A_366 : i32 to index
      %swap3A_390 = tpu.vector_load %arg15[%swap3A_388, %swap3A_389] {strides = array<i32>} : memref<21x512xf32, #tpu.memory_space<vmem>>, vector<16xf32>,
      tpu.vector_store %arg15[%swap3A_388, %swap3A_389], %scan3A_363#6 {strides = array<i32>} : memref<21x512xf32, #tpu.memory_space<vmem>>, vector<16xf32>,
      %swap3A_391 = arith.constant 6 : i32
      %swap3A_392 = arith.index_cast %swap3A_391 : i32 to index
      %swap3A_393 = arith.index_cast %mul3A_366 : i32 to index
      %swap3A_394 = tpu.vector_load %arg15[%swap3A_392, %swap3A_393] {strides = array<i32>} : memref<21x512xf32, #tpu.memory_space<vmem>>, vector<16xf32>,
      tpu.vector_store %arg15[%swap3A_392, %swap3A_393], %scan3A_363#7 {strides = array<i32>} : memref<21x512xf32, #tpu.memory_space<vmem>>, vector<16xf32>,
      %swap3A_395 = arith.constant 7 : i32
      %swap3A_396 = arith.index_cast %swap3A_395 : i32 to index
      %swap3A_397 = arith.index_cast %mul3A_366 : i32 to index
      %swap3A_398 = tpu.vector_load %arg15[%swap3A_396, %swap3A_397] {strides = array<i32>} : memref<21x512xf32, #tpu.memory_space<vmem>>, vector<16xf32>,
      tpu.vector_store %arg15[%swap3A_396, %swap3A_397], %scan3A_363#8 {strides = array<i32>} : memref<21x512xf32, #tpu.memory_space<vmem>>, vector<16xf32>,
      %swap3A_399 = arith.constant 8 : i32
      %swap3A_400 = arith.index_cast %swap3A_399 : i32 to index
      %swap3A_401 = arith.index_cast %mul3A_366 : i32 to index
      %swap3A_402 = tpu.vector_load %arg15[%swap3A_400, %swap3A_401] {strides = array<i32>} : memref<21x512xf32, #tpu.memory_space<vmem>>, vector<16xf32>,
      tpu.vector_store %arg15[%swap3A_400, %swap3A_401], %scan3A_363#9 {strides = array<i32>} : memref<21x512xf32, #tpu.memory_space<vmem>>, vector<16xf32>,
      %swap3A_403 = arith.constant 9 : i32
      %swap3A_404 = arith.index_cast %swap3A_403 : i32 to index
      %swap3A_405 = arith.index_cast %mul3A_366 : i32 to index
      %swap3A_406 = tpu.vector_load %arg15[%swap3A_404, %swap3A_405] {strides = array<i32>} : memref<21x512xf32, #tpu.memory_space<vmem>>, vector<16xf32>,
      tpu.vector_store %arg15[%swap3A_404, %swap3A_405], %scan3A_363#10 {strides = array<i32>} : memref<21x512xf32, #tpu.memory_space<vmem>>, vector<16xf32>,
      %swap3A_407 = arith.constant 10 : i32
      %swap3A_408 = arith.index_cast %swap3A_407 : i32 to index
      %swap3A_409 = arith.index_cast %mul3A_366 : i32 to index
      %swap3A_410 = tpu.vector_load %arg15[%swap3A_408, %swap3A_409] {strides = array<i32>} : memref<21x512xf32, #tpu.memory_space<vmem>>, vector<16xf32>,
      tpu.vector_store %arg15[%swap3A_408, %swap3A_409], %scan3A_363#11 {strides = array<i32>} : memref<21x512xf32, #tpu.memory_space<vmem>>, vector<16xf32>,
      %swap3A_411 = arith.constant 11 : i32
      %swap3A_412 = arith.index_cast %swap3A_411 : i32 to index
      %swap3A_413 = arith.index_cast %mul3A_366 : i32 to index
      %swap3A_414 = tpu.vector_load %arg15[%swap3A_412, %swap3A_413] {strides = array<i32>} : memref<21x512xf32, #tpu.memory_space<vmem>>, vector<16xf32>,
      tpu.vector_store %arg15[%swap3A_412, %swap3A_413], %scan3A_363#12 {strides = array<i32>} : memref<21x512xf32, #tpu.memory_space<vmem>>, vector<16xf32>,
      %swap3A_415 = arith.constant 12 : i32
      %swap3A_416 = arith.index_cast %swap3A_415 : i32 to index
      %swap3A_417 = arith.index_cast %mul3A_366 : i32 to index
      %swap3A_418 = tpu.vector_load %arg15[%swap3A_416, %swap3A_417] {strides = array<i32>} : memref<21x512xf32, #tpu.memory_space<vmem>>, vector<16xf32>,
      tpu.vector_store %arg15[%swap3A_416, %swap3A_417], %scan3A_363#13 {strides = array<i32>} : memref<21x512xf32, #tpu.memory_space<vmem>>, vector<16xf32>,
      %swap3A_419 = arith.constant 13 : i32
      %swap3A_420 = arith.index_cast %swap3A_419 : i32 to index
      %swap3A_421 = arith.index_cast %mul3A_366 : i32 to index
      %swap3A_422 = tpu.vector_load %arg15[%swap3A_420, %swap3A_421] {strides = array<i32>} : memref<21x512xf32, #tpu.memory_space<vmem>>, vector<16xf32>,
      tpu.vector_store %arg15[%swap3A_420, %swap3A_421], %scan3A_363#14 {strides = array<i32>} : memref<21x512xf32, #tpu.memory_space<vmem>>, vector<16xf32>,
      %swap3A_423 = arith.constant 14 : i32
      %swap3A_424 = arith.index_cast %swap3A_423 : i32 to index
      %swap3A_425 = arith.index_cast %mul3A_366 : i32 to index
      %swap3A_426 = tpu.vector_load %arg15[%swap3A_424, %swap3A_425] {strides = array<i32>} : memref<21x512xf32, #tpu.memory_space<vmem>>, vector<16xf32>,
      tpu.vector_store %arg15[%swap3A_424, %swap3A_425], %scan3A_363#15 {strides = array<i32>} : memref<21x512xf32, #tpu.memory_space<vmem>>, vector<16xf32>,
      %swap3A_427 = arith.constant 15 : i32
      %swap3A_428 = arith.index_cast %swap3A_427 : i32 to index
      %swap3A_429 = arith.index_cast %mul3A_366 : i32 to index
      %swap3A_430 = tpu.vector_load %arg15[%swap3A_428, %swap3A_429] {strides = array<i32>} : memref<21x512xf32, #tpu.memory_space<vmem>>, vector<16xf32>,
      tpu.vector_store %arg15[%swap3A_428, %swap3A_429], %scan3A_363#16 {strides = array<i32>} : memref<21x512xf32, #tpu.memory_space<vmem>>, vector<16xf32>,
      %swap3A_431 = arith.constant 16 : i32
      %swap3A_432 = arith.index_cast %swap3A_431 : i32 to index
      %swap3A_433 = arith.index_cast %mul3A_366 : i32 to index
      %swap3A_434 = tpu.vector_load %arg15[%swap3A_432, %swap3A_433] {strides = array<i32>} : memref<21x512xf32, #tpu.memory_space<vmem>>, vector<16xf32>,
      tpu.vector_store %arg15[%swap3A_432, %swap3A_433], %scan3A_363#17 {strides = array<i32>} : memref<21x512xf32, #tpu.memory_space<vmem>>, vector<16xf32>,
      %swap3A_435 = arith.constant 17 : i32
      %swap3A_436 = arith.index_cast %swap3A_435 : i32 to index
      %swap3A_437 = arith.index_cast %mul3A_366 : i32 to index
      %swap3A_438 = tpu.vector_load %arg15[%swap3A_436, %swap3A_437] {strides = array<i32>} : memref<21x512xf32, #tpu.memory_space<vmem>>, vector<16xf32>,
      tpu.vector_store %arg15[%swap3A_436, %swap3A_437], %scan3A_363#18 {strides = array<i32>} : memref<21x512xf32, #tpu.memory_space<vmem>>, vector<16xf32>,
      %swap3A_439 = arith.constant 18 : i32
      %swap3A_440 = arith.index_cast %swap3A_439 : i32 to index
      %swap3A_441 = arith.index_cast %mul3A_366 : i32 to index
      %swap3A_442 = tpu.vector_load %arg15[%swap3A_440, %swap3A_441] {strides = array<i32>} : memref<21x512xf32, #tpu.memory_space<vmem>>, vector<16xf32>,
      tpu.vector_store %arg15[%swap3A_440, %swap3A_441], %scan3A_363#19 {strides = array<i32>} : memref<21x512xf32, #tpu.memory_space<vmem>>, vector<16xf32>,
      %swap3A_443 = arith.constant 19 : i32
      %swap3A_444 = arith.index_cast %swap3A_443 : i32 to index
      %swap3A_445 = arith.index_cast %mul3A_366 : i32 to index
      %swap3A_446 = tpu.vector_load %arg15[%swap3A_444, %swap3A_445] {strides = array<i32>} : memref<21x512xf32, #tpu.memory_space<vmem>>, vector<16xf32>,
      tpu.vector_store %arg15[%swap3A_444, %swap3A_445], %scan3A_363#20 {strides = array<i32>} : memref<21x512xf32, #tpu.memory_space<vmem>>, vector<16xf32>,
      %swap3A_447 = arith.constant 20 : i32
      %swap3A_448 = arith.index_cast %swap3A_447 : i32 to index
      %swap3A_449 = arith.index_cast %mul3A_366 : i32 to index
      %swap3A_450 = tpu.vector_load %arg15[%swap3A_448, %swap3A_449] {strides = array<i32>} : memref<21x512xf32, #tpu.memory_space<vmem>>, vector<16xf32>,
      tpu.vector_store %arg15[%swap3A_448, %swap3A_449], %scan3A_363#0 {strides = array<i32>} : memref<21x512xf32, #tpu.memory_space<vmem>>, vector<16xf32>,
    }
    %scan3A_162 = arith.constant 16 : i32
    "tpu.region"() ({
      %run_scoped3A = tpu.sem_alloc : memref<!tpu.dma_semaphore, #tpu.memory_space<semaphore_mem>>
      %dma_start3A_163 = arith.constant 0 : i32
      %dma_start3A_164 = arith.constant 0 : i32
      %dma_start3A_165 = tpu.memref_slice %arg7[%add3A, %dma_start3A_163, %dma_start3A_164] : memref<32x21x512xf32, #tpu.memory_space<hbm>> -> memref<1x21x512xf32, #tpu.memory_space<hbm>>
      %dma_start3A_166 = tpu.memref_squeeze %dma_start3A_165 : memref<1x21x512xf32, #tpu.memory_space<hbm>> -> memref<21x512xf32, #tpu.memory_space<hbm>>
      %dma_start3A_167 = arith.constant 0 : i32
      %dma_start3A_168 = arith.constant 0 : i32
      %dma_start3A_169 = tpu.memref_slice %arg7[%add3A, %dma_start3A_167, %dma_start3A_168] : memref<32x21x512xf32, #tpu.memory_space<hbm>> -> memref<1x21x512xf32, #tpu.memory_space<hbm>>
      %dma_start3A_170 = tpu.memref_squeeze %dma_start3A_169 : memref<1x21x512xf32, #tpu.memory_space<hbm>> -> memref<21x512xf32, #tpu.memory_space<hbm>>
      tpu.enqueue_dma source(%arg15 : memref<21x512xf32, #tpu.memory_space<vmem>>) target(%dma_start3A_170 : memref<21x512xf32, #tpu.memory_space<hbm>>) target_semaphore(%run_scoped3A : memref<!tpu.dma_semaphore, #tpu.memory_space<semaphore_mem>>)
      %dma_wait3A_171 = arith.constant 0 : i32
      %dma_wait3A_172 = arith.constant 0 : i32
      %dma_wait3A_173 = tpu.memref_slice %arg7[%add3A, %dma_wait3A_171, %dma_wait3A_172] : memref<32x21x512xf32, #tpu.memory_space<hbm>> -> memref<1x21x512xf32, #tpu.memory_space<hbm>>
      %dma_wait3A_174 = tpu.memref_squeeze %dma_wait3A_173 : memref<1x21x512xf32, #tpu.memory_space<hbm>> -> memref<21x512xf32, #tpu.memory_space<hbm>>
      %dma_wait3A_175 = arith.constant 0 : i32
      %dma_wait3A_176 = arith.constant 0 : i32
      %dma_wait3A_177 = tpu.memref_slice %arg7[%add3A, %dma_wait3A_175, %dma_wait3A_176] : memref<32x21x512xf32, #tpu.memory_space<hbm>> -> memref<1x21x512xf32, #tpu.memory_space<hbm>>
      %dma_wait3A_178 = tpu.memref_squeeze %dma_wait3A_177 : memref<1x21x512xf32, #tpu.memory_space<hbm>> -> memref<21x512xf32, #tpu.memory_space<hbm>>
      tpu.wait_dma2 semaphore(%run_scoped3A : memref<!tpu.dma_semaphore, #tpu.memory_space<semaphore_mem>>) src(%arg15 : memref<21x512xf32, #tpu.memory_space<vmem>>) dst(%dma_wait3A_178 : memref<21x512xf32, #tpu.memory_space<hbm>>)
      tpu.yield
    }) : () -> ()
    return
  }
}

module attributes {stable_mosaic.version = 14 : i64} {
  func.func @_tc_reduce_body(%arg0: memref<32x21x512xf32, #tpu.memory_space<vmem>>, %arg1: memref<1x1xf32, #tpu.memory_space<smem>>) attributes {dimension_semantics = [], scalar_prefetch = 0 : i64, scratch_operands = 0 : i64, tpu.core_type = #tpu.core_type<tc>} {
    %get3A = arith.constant 0 : index
    %get3A_0 = arith.constant 0 : index
    %get3A_1 = arith.constant 0 : index
    %get3A_2 = vector.load %arg0[%get3A, %get3A_0, %get3A_1] : memref<32x21x512xf32, #tpu.memory_space<vmem>>, vector<32x21x512xf32>
    %jit3A = arith.constant -1.000000e+01 : f32
    %jit3A_3 = arith.constant 1.000000e+01 : f32
    %max3A = vector.broadcast %jit3A : f32 to vector<32x21x512xf32>
    %max3A_4 = arith.maximumf %max3A, %get3A_2 : vector<32x21x512xf32>
    %min3A = vector.broadcast %jit3A_3 : f32 to vector<32x21x512xf32>
    %min3A_5 = arith.minimumf %min3A, %max3A_4 : vector<32x21x512xf32>
    %iota3A = tpu.iota {dimensions = array<i32: 1>} : vector<32x21x512xi32>
    %eq3A = arith.constant 20 : i32
    %eq3A_6 = vector.broadcast %eq3A : i32 to vector<32x21x512xi32>
    %eq3A_7 = arith.cmpi eq, %iota3A, %eq3A_6 : vector<32x21x512xi32>
    %neg3A = arith.constant 0.000000e+00 : f32
    %neg3A_8 = vector.broadcast %neg3A : f32 to vector<32x21x512xf32>
    %neg3A_9 = arith.subf %neg3A_8, %min3A_5 : vector<32x21x512xf32>
    %select_n3A = arith.select %eq3A_7, %neg3A_9, %min3A_5 : vector<32x21x512xi1>, vector<32x21x512xf32>
    %max3A_10 = arith.constant 0.000000e+00 : f32
    %max3A_11 = vector.broadcast %max3A_10 : f32 to vector<32x21x512xf32>
    %max3A_12 = arith.maximumf %select_n3A, %max3A_11 : vector<32x21x512xf32>
    %abs3A = math.absf %min3A_5 : vector<32x21x512xf32>
    %neg3A_13 = arith.constant 0.000000e+00 : f32
    %neg3A_14 = vector.broadcast %neg3A_13 : f32 to vector<32x21x512xf32>
    %neg3A_15 = arith.subf %neg3A_14, %abs3A : vector<32x21x512xf32>
    %exp3A = math.exp %neg3A_15 : vector<32x21x512xf32>
    %log1p3A = math.log1p %exp3A : vector<32x21x512xf32>
    %add3A = arith.addf %max3A_12, %log1p3A : vector<32x21x512xf32>
    %reduce_sum3A = vector.shape_cast %add3A : vector<32x21x512xf32> to vector<1x32x21x512xf32>
    %reduce_sum3A_16 = arith.constant dense<0.000000e+00> : vector<1xf32>
    %reduce_sum3A_17 = vector.multi_reduction <add>, %reduce_sum3A, %reduce_sum3A_16 [1, 2, 3] : vector<1x32x21x512xf32> to vector<1xf32>
    %reduce_sum3A_18 = vector.shape_cast %reduce_sum3A_17 : vector<1xf32> to vector<1x1x1x1xf32>
    %reduce_sum3A_19 = vector.extract %reduce_sum3A_18[0, 0, 0, 0] : f32 from vector<1x1x1x1xf32>
    %div3A = arith.constant 1.638400e+04 : f32
    %div3A_20 = arith.divf %reduce_sum3A_19, %div3A : f32
    %swap3A = arith.constant 0 : index
    %swap3A_21 = arith.constant 0 : index
    %swap3A_22 = memref.load %arg1[%swap3A, %swap3A_21] : memref<1x1xf32, #tpu.memory_space<smem>>
    memref.store %div3A_20, %arg1[%swap3A, %swap3A_21] : memref<1x1xf32, #tpu.memory_space<smem>>
    return
  }
}

</mosaic_0001>

<sc_bundles>
// kernel: kernel.4.cloned.1.call-start
scs
__scs_entry_jumppad:
0x0: {  	(pc) =	sbr.rel $0x88, $3  }
0x1: {  	(tag) =	ssettag $0x0;
	lr =	simm.s32 $0x1  }
0x2: {  	[smem:$0x3F9C] =	sst lr;
	_ =	strace $0xD0000000  }
0x3: {  	_ = 	snop  }
0x4: {  	_ = 	snop  }
0x5: {  	_ = 	snop  }
0x6: {  	_ = 	snop  }
0x7: {  	_ = 	snop  }
__scs_overlays_trampoline_lowered:
0x8: {  	[smem:$0x3FAB] =	sst s0  }
0x9: {  	[smem:$0x3FAC] =	sst s1  }
0xa: {  	[smem:$0x3FAD] =	sst s2  }
0xb: {  	[smem:$0x3FAE] =	sst s3  }
0xc: {  	[smem:$0x3FAF] =	sst s4  }
0xd: {  	[smem:$0x3FB0] =	sst s5  }
0xe: {  	[smem:$0x3FB1] =	sst s6  }
0xf: {  	[smem:$0x3FB2] =	sst s7  }
0x10: {  	[smem:$0x3FB3] =	sst s8  }
0x11: {  	[smem:$0x3FB4] =	sst s9;
	s0 =	simm.s32 @!p0 $0x0  }
0x12: {  	s1 =	sld [smem:$0x3F9A];
	s0 =	simm.s32 @p0 $0x1  }
0x13: {  	[smem:$0x3FB5] =	sst s0;
	s0 =	simm.s32 @!p1 $0x0  }
0x14: {  	s2 =	sld [smem:$0x3F99];
	s0 =	simm.s32 @p1 $0x1  }
0x15: {  	[smem:$0x3FB6] =	sst s0;
	s0 =	simm.s32 @!p2 $0x0  }
0x16: {  	s3 =	sld [smem:$0x3FDB];
	s0 =	simm.s32 @p2 $0x1  }
0x17: {  	s4 =	simm.s32 $0x1BF5;
	[smem:$0x3FB8] =	sst s0  }
0x18: {  	s0 =	sld [smem:$0x3F9B];
	_ =	swait.ge [sflag:s4], $0x0  }
0x19: {  	s7 =	sld [smem:$0x3F9C]  }
0x1a: {  	s8 =	sadd.s32 $0xFFFFE003, lr  }
0x1b: {  	s9 =	sadd.s32 $0xFFFFFEF7, lr;
	s5 =	simm.s32 $0xFFFFFFFF;
	p2 =	slt.u32 s8, $0xFFFFF086  }
0x1c: {  	p1 =	slt.u32 s9, $0xF7A;
	s5 =	simm.s32 @!p2 $0x0  }
0x1d: {  	s5 =	simm.s32 @p1 $0x1;
	p0 =	seq.s32 s7, s2  }
0x1e: {  	s7 =	smul.u32 @!p0 $0xF7A, s2;
	p2 =	seq.s32 @!p0 s5, $0x0  }
0x1f: {  	s9 =	smul.u32 $0xF7A, s1;
	s8 =	simm.s32 @!p0 $0x1BF5;
	p2 =	por !p2, p0  }
0x20: {  	[sflag:s8] =	ssyncset.s32 @!p0 $0xFFFFF086;
	s6 =	sadd.s32 @!p0 s3, s7;
	s7 =	simm.s32 @!p0 $0x108  }
0x21: {  	s3 =	sadd.s32 s3, s9;
	s6 =	sadd.s32 @!p0 $0x88, s6;
	s7 =	simm.s32 @p2 $0x1082  }
0x22: {  	[simem:s7], [sflag:s8] =	dma.local @!p0 [hbm:s6], $0xF7A  }
0x23: {  	s9 =	sor.u32 $0xD0000000, s2;
	s6 =	simm.s32 $0x108;
	_ =	swait.ge @!p0 [sflag:s8], $0x0  }
0x24: {  	s3 =	sadd.s32 $0x88, s3;
	s6 =	simm.s32 @!p1 $0x1082;
	[sflag:s4] =	ssyncset.s32 $0xFFFFF086  }
0x25: {  	[simem:s6], [sflag:s4] =	dma.local [hbm:s3], $0xF7A  }
0x26: {  	[smem:$0x3F9C] =	sst s1;
	(tag) =	ssettag s2;
	_ =	strace s9  }
0x27: {  	s1 =	sld [smem:$0x3FAC]  }
0x28: {  	s2 =	sld [smem:$0x3FAD]  }
0x29: {  	s4 =	sld [smem:$0x3FAF]  }
0x2a: {  	p0 =	seq.s32 s5, $0x0;
	s5 =	sld [smem:$0x3FB0]  }
0x2b: {  	s6 =	sld [smem:$0x3FB1]  }
0x2c: {  	s7 =	sld [smem:$0x3FB2]  }
0x2d: {  	s3 =	simm.s32 $0x108;
	s8 =	sld [smem:$0x3FB3]  }
0x2e: {  	s3 =	simm.s32 @!p0 $0x1082;
	s9 =	sld [smem:$0x3FB4]  }
0x2f: {  	lr =	sadd.s32 s0, s3;
	s0 =	sld [smem:$0x3FAB]  }
0x30: {  	s3 =	sld [smem:$0x3FAE]  }
0x31: {  	[smem:$0x3FB7] =	sst s10  }
0x32: {  	s10 =	sld [smem:$0x3FB5];
	_ =	sdelay $0x3  }
0x33: {  	p0 =	seq.s32 s10, $0x1;
	s10 =	sld [smem:$0x3FB7];
	_ =	sdelay $0x3  }
0x34: {  	[smem:$0x3FB7] =	sst s10  }
0x35: {  	s10 =	sld [smem:$0x3FB6];
	_ =	sdelay $0x3  }
0x36: {  	p1 =	seq.s32 s10, $0x1;
	s10 =	sld [smem:$0x3FB7];
	_ =	sdelay $0x3  }
0x37: {  	[smem:$0x3FB7] =	sst s10  }
0x38: {  	s10 =	sld [smem:$0x3FB8]  }
0x39: {  	_ = 	snop;
	(pc) =	sbr.ind lr, $3  }
0x3a: {  	_ = 	snop  }
0x3b: {  	_ = 	snop  }
0x3c: {  	p2 =	seq.s32 s10, $0x1;
	s10 =	sld [smem:$0x3FB7]  }
0x3d: {  	_ =	shalt  }
0x3e: {  	_ =	shalt  }
0x3f: {  	_ =	shalt  }
0x40: {  	_ =	shalt  }
0x41: {  	_ =	shalt  }
0x42: {  	_ =	shalt  }
0x43: {  	_ =	shalt  }
0x44: {  	_ =	shalt  }
0x45: {  	_ =	shalt  }
0x46: {  	_ =	shalt  }
0x47: {  	_ =	shalt  }
0x48: {  	_ =	shalt  }
0x49: {  	_ =	shalt  }
0x4a: {  	_ =	shalt  }
0x4b: {  	_ =	shalt  }
0x4c: {  	_ =	shalt  }
0x4d: {  	_ =	shalt  }
0x4e: {  	_ =	shalt  }
0x4f: {  	_ =	shalt  }
0x50: {  	_ =	shalt  }
0x51: {  	_ =	shalt  }
0x52: {  	_ =	shalt  }
0x53: {  	_ =	shalt  }
0x54: {  	_ =	shalt  }
0x55: {  	_ =	shalt  }
0x56: {  	_ =	shalt  }
0x57: {  	_ =	shalt  }
0x58: {  	_ =	shalt  }
0x59: {  	_ =	shalt  }
0x5a: {  	_ =	shalt  }
0x5b: {  	_ =	shalt  }
0x5c: {  	_ =	shalt  }
0x5d: {  	_ =	shalt  }
0x5e: {  	_ =	shalt  }
0x5f: {  	_ =	shalt  }
0x60: {  	_ =	shalt  }
0x61: {  	_ =	shalt  }
0x62: {  	_ =	shalt  }
0x63: {  	_ =	shalt  }
0x64: {  	_ =	shalt  }
0x65: {  	_ =	shalt  }
0x66: {  	_ =	shalt  }
0x67: {  	_ =	shalt  }
0x68: {  	_ =	shalt  }
0x69: {  	_ =	shalt  }
0x6a: {  	_ =	shalt  }
0x6b: {  	_ =	shalt  }
0x6c: {  	_ =	shalt  }
0x6d: {  	_ =	shalt  }
0x6e: {  	_ =	shalt  }
0x6f: {  	_ =	shalt  }
0x70: {  	_ =	shalt  }
0x71: {  	_ =	shalt  }
0x72: {  	_ =	shalt  }
0x73: {  	_ =	shalt  }
0x74: {  	_ =	shalt  }
0x75: {  	_ =	shalt  }
0x76: {  	_ =	shalt  }
0x77: {  	_ =	shalt  }
0x78: {  	_ =	shalt  }
0x79: {  	_ =	shalt  }
0x7a: {  	_ =	shalt  }
0x7b: {  	_ =	shalt  }
0x7c: {  	_ =	shalt  }
0x7d: {  	_ =	shalt  }
0x7e: {  	_ =	shalt  }
0x7f: {  	_ =	shalt  }
0x80: {  	_ =	shalt  }
0x81: {  	_ =	shalt  }
0x82: {  	_ =	shalt  }
0x83: {  	_ =	shalt  }
0x84: {  	_ =	shalt  }
0x85: {  	_ =	shalt  }
0x86: {  	_ =	shalt  }
0x87: {  	_ =	shalt  }
.Lfunc_end0:
.L_simem_size_0:
called_computation_lowered:
.L_overlay_start_0:
0x88: {  	s2 =	sld [smem:$0x3FD9]  }
0x89: {  	s3 =	sld [smem:$0x3FFE];
	_ =	sdelay $0x1  }
0x8a: {  	s1 =	srdreg.scid  }
0x8b: {  	s0 =	sand.u32 $0x1, s1  }
0x8c: {  	s17 =	sshll.u32 s0, $0xA;
	s2 =	sadd.s32 s3, s2  }
0x8d: {  	s2 =	sadd.s32 s2, s17  }
0x8e: {  	[smem:$0x3FC3] =	sst s2  }
0x8f: {  	_ = 	snop  }
0x90: {  	s2 =	sld [smem:$0x3FC9]  }
0x91: {  	s18 =	sld [smem:$0x3FC8];
	(tm) =	ssettm $0x1  }
0x92: {  	s4 =	sld [smem:$0x3FFB];
	_ =	sdelay $0x3  }
0x93: {  	_ =	strace s4  }
0x94: {  	s4 =	sld [smem:$0x3FFC];
	_ =	sdelay $0x3  }
0x95: {  	_ =	strace s4  }
0x96: {  	s4 =	sld [smem:$0x3FFD];
	_ =	sdelay $0x3  }
0x97: {  	_ =	strace s4  }
0x98: {  	_ =	strace $0x8FFFFFFF  }
0x99: {  	s19 =	sld [smem:$0x3FDB];
	_ =	sdelay $0x1  }
0x9a: {  	s5 =	simm.s32 $_scs_section_size  }
0x9b: {  	s6 =	simm.s32 $_size__tile_overlayer_lowered;
	s7 =	simm.s32 $_tile_overlayer_lowered  }
0x9c: {  	s22 =	simm.s32 $0x1BFF;
	s21 =	sshll.u32 s7, $0x1;
	s4 =	sadd.s32 s5, s19  }
0x9d: {  	s8 =	simm.s32 $0x0;
	s20 =	sshll.u32 s6, $0x1;
	s6 =	sadd.s32 s21, s4  }
0x9e: {  	[timem:s8], [sflag:s22] =	dma.local [hbm:s6], s20  }
0x9f: {  	_ =	swait.ge [sflag:s22], s20  }
0xa0: {  	s5 =	ssub.s32 $0x0, s20;
	[sflag:s22] =	ssyncset.done $0x0  }
0xa1: {  	[sflag:s22] =	ssyncadd.s32 s5;
	_ =	sdelay $0x1  }
0xa2: {  	s23 =	simm.s32 $0x1B8B  }
0xa3: {  	_ =	swait.ge [sflag:s23], $0x1  }
0xa4: {  	[sflag:s23] =	ssyncset.done $0x0  }
0xa5: {  	s25 =	simm.s32 $0x1B8E;
	s24 =	sld [smem:$0x3FFE];
	[sflag:s23] =	ssyncadd.s32 $0xFFFFFFFF  }
0xa6: {  	s26 =	simm.s32 $execute0_lowered;
	[smem:$0x3FD2] =	sst s25  }
0xa7: {  	s6 =	sshll.u32 s26, $0x1;
	_ =	strace $0x80000046;
	[dreg:$0x1] =	wrdreg $0xFFFFFFFF  }
0xa8: {  	s28 =	simm.s32 $_size_execute0_lowered;
	s4 =	sadd.s32 s4, s6;
	[dreg:$0x0] =	wrdreg $0x0  }
0xa9: {  	s6 =	sshll.u32 s28, $0x1;
	[dreg:$0x2] =	wrdreg s4  }
0xaa: {  	[dreg:$0x3] =	wrdreg s6  }
0xab: {  	[dreg:$0x4] =	wrdreg $0xC0  }
0xac: {  	_ =	task [dreg:s8], $0x5FFFF  }
0xad: {  	[dreg:$0x1] =	wrdreg $0xFFFFFFFF  }
0xae: {  	[dreg:$0x0] =	wrdreg $0x60  }
0xaf: {  	[dreg:$0x2] =	wrdreg s24  }
0xb0: {  	[dreg:$0x3] =	wrdreg s2  }
0xb1: {  	[dreg:$0x4] =	wrdreg s18  }
0xb2: {  	[dreg:$0x5] =	wrdreg $0x9  }
0xb3: {  	_ =	task.clear_ibuf [dreg:s8], $0x6FFFF;
	_ =	strace $0x90000046  }
0xb4: {  	s29 =	simm.s32 $0x9;
	_ =	strace $0x80000048  }
0xb5: {  	_ =	swait.ge [sflag:s29], $0x1  }
0xb6: {  	[sflag:s29] =	ssyncadd.s32 $0xFFFFFFFF  }
0xb7: {  	_ =	strace $0x90000048  }
0xb8: {  	_ =	sfence  }
0xb9: {  	s30 =	sld [smem:$0x0];
	_ =	sdelay $0x2  }
0xba: {  	s31 =	sshll.u32 s1, $0xD;
	s1 =	sshrl.u32 s1, $0x2  }
0xbb: {  	s3 =	sand.u32 $0x4000, s31;
	s1 =	sadd.s32 s1, s30  }
0xbc: {  	s0 =	sor.u32 s3, s0;
	s1 =	sshll.u32 s1, $0x11  }
0xbd: {  	s0 =	sor.u32 s1, s0  }
0xbe: {  	s0 =	sadd.s32 $0x8F2B, s0  }
0xbf: {  	[sflag:s0] =	ssyncadd.remote.s32 $0x1  }
0xc0: {  	_ =	sfence.sel $0xFFFF  }
0xc1: {  	[dreg:$0x0] =	wrdreg $0xFFFFFFFF;
	(pc) =	sbr.abs _section_cstart, $3  }
0xc2: {  	[dreg:$0x1] =	wrdreg $0xFFFFFFFF  }
0xc3: {  	_ =	task.clear_ibuf [dreg:s8], $0x2FFFF;
	_ =	strace $0x9FFFFFFF  }
0xc4: {  	(tm) =	ssettm $0x7FFFFFFF  }
0xc5: {  	_ =	shalt  }
tec
execute0_lowered:
.L_overlay_start_1:
0x0: {  	(tag) =	ssettag $0x1  }
0x1: {  	s0 =	rddreg [dreg:$0x0];
	v62 =	vlaneseq.u32  }
0x2: {  	s1 =	rddreg [dreg:$0x1];
	s2 =	simm.s32 $0x0;
	v63 =	vmul.u32 $0x500, v62;
	v0 =	vmul.u32 $0x40, v62  }
0x3: {  	[smem:$0x7FF] =	sst s2  }
0x4: {  	s6 =	rddreg [dreg:$0x2];
	_ =	strace $0x80000047;
	[tilespmem:$0x1FEC0] =	vst v0;
	v1 =	vadd.s32 $0x140, v63  }
0x5: {  	v2 =	vadd.s32 $0x180, v63;
	[tilespmem:$0x1FED0] =	vst v1  }
0x6: {  	v3 =	vadd.s32 $0x1C0, v63;
	[tilespmem:$0x1FEE0] =	vst v2  }
0x7: {  	v4 =	vadd.s32 $0x200, v63;
	[tilespmem:$0x1FEF0] =	vst v3  }
0x8: {  	v5 =	vadd.s32 $0x240, v63;
	[tilespmem:$0x1FF00] =	vst v4  }
0x9: {  	v6 =	vadd.s32 $0x280, v63;
	[tilespmem:$0x1FF10] =	vst v5  }
0xa: {  	v7 =	vadd.s32 $0x2C0, v63;
	[tilespmem:$0x1FF20] =	vst v6  }
0xb: {  	s3 =	srdreg.scid;
	v8 =	vadd.s32 $0x300, v63;
	[tilespmem:$0x1FF30] =	vst v7  }
0xc: {  	s5 =	stileid.u32;
	s11 =	simm.s32 $0x200;
	s12 =	simm.s32 $0x400;
	v9 =	vadd.s32 $0x340, v63;
	[tilespmem:$0x1FF40] =	vst v8  }
0xd: {  	s13 =	simm.s32 $0x80;
	s14 =	simm.s32 $0x2C00;
	s15 =	simm.s32 $0xAC00;
	v10 =	vadd.s32 $0x380, v63;
	[tilespmem:$0x1FF50] =	vst v9  }
0xe: {  	s28 =	simm.s32 $0x1;
	s29 =	simm.s32 $0x12C00;
	s16 =	simm.s32 $0x16C00;
	v11 =	vadd.s32 $0x3C0, v63;
	[tilespmem:$0x1FF60] =	vst v10  }
0xf: {  	s17 =	simm.s32 $0x17C00;
	s18 =	simm.s32 $0x19C00;
	s19 =	simm.s32 $0x1BC00;
	v16 =	vadd.s32 $0x400, v63;
	[tilespmem:$0x1FF70] =	vst v11  }
0x10: {  	s20 =	simm.s32 $0x2;
	s21 =	simm.s32 $0x3;
	s22 =	simm.s32 $0x1CC00;
	v18 =	vadd.s32 $0x440, v63;
	[tilespmem:$0x1FF80] =	vst v16  }
0x11: {  	s23 =	simm.s32 $0x0;
	s4 =	sand.u32 $0x1, s3;
	s30 =	sshll.u32 s5, $0x1;
	v17 =	vadd.s32 $0x480, v63;
	[tilespmem:$0x1FF90] =	vst v18  }
0x12: {  	s3 =	sadd.s32 $0x24C200, s0;
	s5 =	sor.u32 s4, s30;
	s9 =	ssub.s32 $0x2, s4;
	v21 =	vadd.s32 $0x100, v63;
	[tilespmem:$0x1FFA0] =	vst v17  }
0x13: {  	s4 =	sadd.s32 $0x188C00, s0;
	s7 =	smul.u32 $0x500, s5;
	s10 =	sshrl.u32 s9, $0x1;
	v12 =	vor.u32 $0x40, v63;
	[tilespmem:$0x1FFB0] =	vst v21  }
0x14: {  	s8 =	smul.u32 $0x540, s5;
	s31 =	sshll.u32 s5, $0x6;
	v15 =	vadd.s32 $0x4C0, v63;
	s9 =	ssub.s32 s9, s10;
	[tilespmem:$0x1FFC0] =	vst v12  }
0x15: {  	v19 =	vor.u32 $0x80, v63;
	s5 =	sadd.s32 s1, s31;
	s6 =	sadd.s32 s6, s31;
	s10 =	simm.s32 $0x4;
	[tilespmem:$0x1FFD0] =	vst v15  }
0x16: {  	v20 =	vor.u32 $0xC0, v63;
	[tilespmem:$0x1FFE0] =	vst v19;
	s7 =	sadd.s32 s7, s0;
	s0 =	sadd.s32 s8, s0;
	s9 =	smax.u32 s9, $0x1  }
0x17: {  	[tilespmem:$0x1FFF0] =	vst v20;
	s7 =	sadd.s32 $0x2200, s7;
	s8 =	sadd.s32 $0xC200, s0;
	s0 =	simm.s32 $0x40  }
.LBB2_1:
0x18: {  	[tilespmem:s2], [sflag:$0x4] =	stream.linear.gather [hbm4b:s5+s2], $0x200, $0x38;
	[tilespmem:$0x1F600] =	vst v63  }
0x19: {  	_ =	swait.ge [sflag:s10], $0x200  }
0x1a: {  	[sflag:s10] =	ssyncset.done $0x0  }
0x1b: {  	[sflag:s10] =	ssyncadd.s32 $0xFFFFFE00  }
0x1c: {  	[tilespmem:s11], [sflag:$0x4] =	stream.linear.gather [hbm4b:s6+s2], $0x200, $0x38;
	[tilespmem:$0x1F600] =	vst v63  }
0x1d: {  	_ =	swait.ge [sflag:s10], $0x200  }
0x1e: {  	[sflag:s10] =	ssyncset.done $0x0  }
0x1f: {  	[sflag:s10] =	ssyncadd.s32 $0xFFFFFE00  }
0x20: {  	[tilespmem:s12], [sflag:$0x4] =	stream.linear.gather [hbm4b:s7+s2], $0x2800, $0x38;
	[tilespmem:$0x1F600] =	vst v63  }
0x21: {  	_ =	swait.ge [sflag:s10], $0x2800  }
0x22: {  	[sflag:s10] =	ssyncset.done $0x0  }
0x23: {  	[sflag:s10] =	ssyncadd.s32 $0xFFFFD800  }
0x24: {  	[tilespmem:s14], [sflag:$0x1] =	stream.indirect.gather [hbm4b:s3+s13], $0x40, s2, s13, $0xb8;
	[tilespmem:$0x1F600] =	vst v63  }
0x25: {  	_ = 	snop  }
0x26: {  	[tilespmem:s15], [sflag:$0x1] =	stream.indirect.gather [hbm4b:s4+s13], $0x40, s11, s13, $0xb8;
	[tilespmem:$0x1F600] =	vst v63  }
0x27: {  	s1 =	simm.s32 $0x4C00  }
0x28: {  	[tilespmem:s1], [sflag:$0x1] =	stream.indirect.gather [hbm4b:s3+s13], $0x40, s13, s13, $0xb8;
	[tilespmem:$0x1F600] =	vst v63  }
0x29: {  	s26 =	simm.s32 $0x280;
	s24 =	simm.s32 $0xCC00  }
0x2a: {  	[tilespmem:s24], [sflag:$0x1] =	stream.indirect.gather [hbm4b:s4+s13], $0x40, s26, s13, $0xb8;
	[tilespmem:$0x1F600] =	vst v63  }
0x2b: {  	s30 =	simm.s32 $0x100;
	s31 =	simm.s32 $0x6C00  }
0x2c: {  	[tilespmem:s31], [sflag:$0x1] =	stream.indirect.gather [hbm4b:s3+s13], $0x40, s30, s13, $0xb8;
	[tilespmem:$0x1F600] =	vst v63  }
0x2d: {  	s25 =	simm.s32 $0x300;
	s26 =	simm.s32 $0xEC00  }
0x2e: {  	[tilespmem:s26], [sflag:$0x1] =	stream.indirect.gather [hbm4b:s4+s13], $0x40, s25, s13, $0xb8;
	[tilespmem:$0x1F600] =	vst v63  }
0x2f: {  	s30 =	simm.s32 $0x180;
	s31 =	simm.s32 $0x8C00  }
0x30: {  	[tilespmem:s31], [sflag:$0x1] =	stream.indirect.gather [hbm4b:s3+s13], $0x40, s30, s13, $0xb8;
	[tilespmem:$0x1F600] =	vst v63  }
0x31: {  	s24 =	simm.s32 $0x380;
	s25 =	simm.s32 $0x10C00  }
0x32: {  	[tilespmem:s25], [sflag:$0x1] =	stream.indirect.gather [hbm4b:s4+s13], $0x40, s24, s13, $0xb8;
	[tilespmem:$0x1F600] =	vst v63  }
0x33: {  	_ =	swait.ge [sflag:s28], $0x2000  }
0x34: {  	[sflag:s28] =	ssyncset.done $0x0  }
0x35: {  	[sflag:s28] =	ssyncadd.s32 $0xFFFFE000  }
0x36: {  	_ =	swait.ge [sflag:s28], $0x2000  }
0x37: {  	[sflag:s28] =	ssyncset.done $0x0  }
0x38: {  	[sflag:s28] =	ssyncadd.s32 $0xFFFFE000  }
0x39: {  	_ =	swait.ge [sflag:s28], $0x2000  }
0x3a: {  	[sflag:s28] =	ssyncset.done $0x0  }
0x3b: {  	[sflag:s28] =	ssyncadd.s32 $0xFFFFE000  }
0x3c: {  	_ =	swait.ge [sflag:s28], $0x2000  }
0x3d: {  	[sflag:s28] =	ssyncset.done $0x0  }
0x3e: {  	[sflag:s28] =	ssyncadd.s32 $0xFFFFE000  }
0x3f: {  	_ =	swait.ge [sflag:s28], $0x2000  }
0x40: {  	[sflag:s28] =	ssyncset.done $0x0  }
0x41: {  	[sflag:s28] =	ssyncadd.s32 $0xFFFFE000  }
0x42: {  	_ =	swait.ge [sflag:s28], $0x2000  }
0x43: {  	[sflag:s28] =	ssyncset.done $0x0  }
0x44: {  	[sflag:s28] =	ssyncadd.s32 $0xFFFFE000  }
0x45: {  	_ =	swait.ge [sflag:s28], $0x2000  }
0x46: {  	[sflag:s28] =	ssyncset.done $0x0  }
0x47: {  	[sflag:s28] =	ssyncadd.s32 $0xFFFFE000  }
0x48: {  	_ =	swait.ge [sflag:s28], $0x2000  }
0x49: {  	[sflag:s28] =	ssyncset.done $0x0  }
0x4a: {  	[sflag:s28] =	ssyncadd.s32 $0xFFFFE000  }
0x4b: {  	[tilespmem:s29], [sflag:$0x2] =	stream.indirect.gather [hbm4b:s4+s13], $0x40, s12, s13, $0xb8;
	[tilespmem:$0x1F600] =	vst v63  }
0x4c: {  	s26 =	simm.s32 $0x480;
	s30 =	simm.s32 $0x14C00  }
0x4d: {  	[tilespmem:s30], [sflag:$0x2] =	stream.indirect.gather [hbm4b:s4+s13], $0x40, s26, s13, $0xb8;
	[tilespmem:$0x1F600] =	vst v63  }
0x4e: {  	s31 =	simm.s32 $0x500;
	s24 =	simm.s32 $0x0  }
0x4f: {  	[tilespmem:s16], [sflag:$0x2] =	stream.indirect.gather [hbm4b:s4+s0], $0x40, s31, s0, $0xb8;
	[tilespmem:$0x1F600] =	vst v63  }
.LBB2_2:
0x50: {  	s25 =	sshllo.u32 s24, $0x1  }
0x51: {  	s26 =	smul.u32 $0x500, s25;
	_ =	sdelay $0x1  }
0x52: {  	s26 =	sshra.s32 s26, $0x2  }
0x53: {  	s30 =	sadd.s32 $0x400, s26  }
0x54: {  	[tilespmem:s17], [sflag:$0x3] =	stream.indirect.gather [hbm4b:s4+s13], $0x40, s30, s13, $0xb8;
	[tilespmem:$0x1F600] =	vst v63  }
0x55: {  	s30 =	sadd.s32 $0x480, s26  }
0x56: {  	[tilespmem:s18], [sflag:$0x3] =	stream.indirect.gather [hbm4b:s4+s13], $0x40, s30, s13, $0xb8;
	[tilespmem:$0x1F600] =	vst v63  }
0x57: {  	s26 =	sadd.s32 $0x500, s26  }
0x58: {  	[tilespmem:s19], [sflag:$0x3] =	stream.indirect.gather [hbm4b:s4+s0], $0x40, s26, s0, $0xb8;
	[tilespmem:$0x1F600] =	vst v63  }
0x59: {  	_ =	swait.ge [sflag:s20], $0x2000  }
0x5a: {  	[sflag:s20] =	ssyncset.done $0x0  }
0x5b: {  	[sflag:s20] =	ssyncadd.s32 $0xFFFFE000  }
0x5c: {  	_ =	swait.ge [sflag:s20], $0x2000  }
0x5d: {  	v0 =	vld [tilespmem:$0x1FEC0];
	_ =	sdelay $0x1  }
0x5e: {  	s26 =	sshll.u32 s24, $0x5  }
0x5f: {  	s30 =	simm.s32 $0x0;
	v22 =	vmov s26  }
0x60: {  	v23 =	vadd.s32 s30, v62;
	v22 =	vshll.u32 v22, $0x6  }
0x61: {  	v39 =	vor.u32 v0, v22;
	v22 =	vand.u32 $0x3F, v23  }
0x62: {  	[sflag:s20] =	ssyncset.done $0x0;
	v23 =	vor.u32 v39, v22  }
0x63: {  	[sflag:s20] =	ssyncadd.s32 $0xFFFFE000;
	v25 =	vor.u32 v15, v22  }
0x64: {  	_ =	swait.ge [sflag:s20], $0x1000  }
0x65: {  	[sflag:s20] =	ssyncset.done $0x0;
	v26 =	vor.u32 v63, v22  }
0x66: {  	[sflag:s20] =	ssyncadd.s32 $0xFFFFF000;
	v27 =	vor.u32 v12, v22  }
0x67: {  	v28 =	vor.u32 v19, v22;
	v24 =	vld.idx.msk [tilespmem:v23+s14+$0x0], $0xffff  }
0x68: {  	v29 =	vor.u32 v20, v22;
	v25 =	vld.idx.msk [tilespmem:v25+s29+$0x0], $0xffff  }
0x69: {  	v33 =	vor.u32 v2, v22;
	v23 =	vld.idx.msk [tilespmem:v23+s15+$0x0], $0xffff  }
0x6a: {  	v30 =	vor.u32 v21, v22;
	v26 =	vld.idx.msk [tilespmem:v26+s29+$0x0], $0xffff  }
0x6b: {  	v31 =	vor.u32 v1, v22;
	v27 =	vld.idx.msk [tilespmem:v27+s29+$0x0], $0xffff  }
0x6c: {  	v32 =	vimm.f32 $0.0e+00;
	v43 =	vimm.f32 $0.0e+00;
	v41 =	vor.u32 v6, v22;
	v28 =	vld.idx.msk [tilespmem:v28+s29+$0x0], $0xffff  }
0x6d: {  	v44 =	vimm.f32 $0.0e+00;
	v34 =	vor.u32 v3, v22;
	v40 =	vor.u32 v5, v22;
	v29 =	vld.idx.msk [tilespmem:v29+s29+$0x0], $0xffff  }
0x6e: {  	v35 =	vor.u32 v4, v22;
	v51 =	vor.u32 v7, v22;
	v54 =	vor.u32 v8, v22;
	v42 =	vld.idx.msk [tilespmem:v33+s29+$0x0], $0xffff  }
0x6f: {  	v59 =	vor.u32 v9, v22;
	v49 =	vor.u32 v10, v22;
	v48 =	vor.u32 v11, v22;
	v30 =	vld.idx.msk [tilespmem:v30+s29+$0x0], $0xffff  }
0x70: {  	v47 =	vor.u32 v16, v22;
	v46 =	vor.u32 v18, v22;
	v45 =	vor.u32 v17, v22;
	v31 =	vld.idx.msk [tilespmem:v31+s29+$0x0], $0xffff  }
0x71: {  	v52 =	vld.idx.msk [tilespmem:v41+s29+$0x0], $0xffff;
	v41 =	vimm.f32 $0.0e+00;
	v25 =	vmul.f32 v25, v24;
	v23 =	vmul.f32 v23, v24  }
0x72: {  	v53 =	vld.idx.msk [tilespmem:v40+s29+$0x0], $0xffff;
	v40 =	vimm.f32 $0.0e+00;
	v26 =	vmul.f32 v26, v24;
	v28 =	vmul.f32 v28, v24  }
0x73: {  	v29 =	vmul.f32 v29, v24;
	v56 =	vmul.f32 v42, v24;
	v22 =	vadd.f32 v25, v32  }
0x74: {  	v42 =	vimm.f32 $0.0e+00;
	v23 =	vadd.f32 v23, v32;
	v38 =	vadd.f32 v26, v32  }
0x75: {  	s30 =	simm.s32 $0x1;
	v25 =	vmul.f32 v27, v24;
	v27 =	vld.idx.msk [tilespmem:v34+s29+$0x0], $0xffff;
	v36 =	vadd.f32 v28, v32;
	v33 =	vadd.f32 v29, v32  }
0x76: {  	v26 =	vmul.f32 v31, v24;
	v28 =	vadd.s32 s30, v62;
	v31 =	vimm.f32 $0.0e+00  }
0x77: {  	v50 =	vld.idx.msk [tilespmem:v35+s29+$0x0], $0xffff;
	v29 =	vimm.f32 $0.0e+00;
	v37 =	vadd.f32 v25, v32;
	v25 =	vmul.f32 v30, v24  }
0x78: {  	v55 =	vld.idx.msk [tilespmem:v51+s29+$0x0], $0xffff;
	v58 =	vand.u32 $0x3F, v28;
	v28 =	vimm.f32 $0.0e+00;
	v35 =	vadd.f32 v26, v32  }
0x79: {  	v51 =	vld.idx.msk [tilespmem:v54+s29+$0x0], $0xffff;
	v30 =	vimm.f32 $0.0e+00;
	v26 =	vimm.f32 $0.0e+00;
	v34 =	vadd.f32 v25, v32  }
0x7a: {  	v21 =	vmovc v12;
	v18 =	vmovc v15;
	v54 =	vld.idx.msk [tilespmem:v59+s29+$0x0], $0xffff;
	s30 =	simm.s32 $0x2;
	v25 =	vimm.f32 $0.0e+00;
	v57 =	vmul.f32 v27, v24;
	v27 =	vimm.f32 $0.0e+00  }
.LBB2_3:
0x7b: {  	v62 =	vld.idx.msk [tilespmem:v49+s29+$0x0], $0xffff  }
0x7c: {  	v1 =	vld.idx.msk [tilespmem:v48+s29+$0x0], $0xffff  }
0x7d: {  	v3 =	vld [tilespmem:$0x1FFB0]  }
0x7e: {  	v4 =	vld [tilespmem:$0x1FED0]  }
0x7f: {  	v5 =	vld [tilespmem:$0x1FEE0]  }
0x80: {  	v6 =	vld.idx.msk [tilespmem:v47+s29+$0x0], $0xffff  }
0x81: {  	v7 =	vld [tilespmem:$0x1FEF0]  }
0x82: {  	v8 =	vld [tilespmem:$0x1FF00]  }
0x83: {  	v9 =	vld [tilespmem:$0x1FF10]  }
0x84: {  	v10 =	vld.idx.msk [tilespmem:v46+s29+$0x0], $0xffff  }
0x85: {  	v14 =	vld.idx.msk [tilespmem:v45+s29+$0x0], $0xffff  }
0x86: {  	v45 =	vld [tilespmem:$0x1FF80]  }
0x87: {  	v11 =	vld [tilespmem:$0x1FF20]  }
0x88: {  	v12 =	vld [tilespmem:$0x1FF30]  }
0x89: {  	v59 =	vor.u32 v39, v58;
	v13 =	vld [tilespmem:$0x1FF40]  }
0x8a: {  	v60 =	vor.u32 v63, v58;
	v61 =	vor.u32 v21, v58;
	v0 =	vor.u32 v18, v58;
	v16 =	vld [tilespmem:$0x1FF50]  }
0x8b: {  	v17 =	vmovc v63;
	v63 =	vor.u32 v19, v58;
	v2 =	vor.u32 v20, v58;
	v47 =	vor.u32 v45, v58;
	v45 =	vld [tilespmem:$0x1FF90]  }
0x8c: {  	v49 =	vld [tilespmem:$0x1FF60];
	v32 =	vadd.f32 v56, v32;
	v50 =	vmul.f32 v50, v24;
	v53 =	vmul.f32 v53, v24  }
0x8d: {  	v48 =	vld [tilespmem:$0x1FF70];
	v43 =	vadd.f32 v57, v43;
	v52 =	vmul.f32 v52, v24;
	v55 =	vmul.f32 v55, v24  }
0x8e: {  	v3 =	vor.u32 v3, v58;
	v4 =	vor.u32 v4, v58;
	v5 =	vor.u32 v5, v58;
	v15 =	vld.idx.msk [tilespmem:v59+s14+$0x0], $0xffff  }
0x8f: {  	v7 =	vor.u32 v7, v58;
	v8 =	vor.u32 v8, v58;
	v9 =	vor.u32 v9, v58;
	v0 =	vld.idx.msk [tilespmem:v0+s29+$0x0], $0xffff  }
0x90: {  	v11 =	vor.u32 v11, v58;
	v12 =	vor.u32 v12, v58;
	v46 =	vor.u32 v45, v58;
	v45 =	vld [tilespmem:$0x1FFA0]  }
0x91: {  	v13 =	vor.u32 v13, v58;
	v16 =	vor.u32 v16, v58;
	v49 =	vor.u32 v49, v58;
	v56 =	vld.idx.msk [tilespmem:v60+s29+$0x0], $0xffff  }
0x92: {  	v48 =	vor.u32 v48, v58;
	v57 =	vld.idx.msk [tilespmem:v61+s29+$0x0], $0xffff;
	v1 =	vmul.f32 v1, v24;
	v6 =	vmul.f32 v6, v24  }
0x93: {  	v44 =	vadd.f32 v50, v44;
	v50 =	vmul.f32 v51, v24;
	v51 =	vmul.f32 v54, v24;
	v54 =	vld.idx.msk [tilespmem:v63+s29+$0x0], $0xffff  }
0x94: {  	v10 =	vmul.f32 v10, v24;
	v14 =	vmul.f32 v14, v24;
	v42 =	vadd.f32 v53, v42;
	v3 =	vld.idx.msk [tilespmem:v3+s29+$0x0], $0xffff  }
0x95: {  	v41 =	vadd.f32 v52, v41;
	v40 =	vadd.f32 v55, v40;
	v45 =	vor.u32 v45, v58;
	v58 =	vld.idx.msk [tilespmem:v59+s15+$0x0], $0xffff  }
0x96: {  	v28 =	vadd.f32 v1, v28;
	v27 =	vadd.f32 v6, v27;
	v4 =	vld.idx.msk [tilespmem:v4+s29+$0x0], $0xffff  }
0x97: {  	v2 =	vld.idx.msk [tilespmem:v2+s29+$0x0], $0xffff;
	v26 =	vadd.f32 v10, v26;
	v25 =	vadd.f32 v14, v25;
	v0 =	vmul.f32 v0, v15  }
0x98: {  	v31 =	vadd.f32 v50, v31;
	v55 =	vmul.f32 v56, v15;
	v5 =	vld.idx.msk [tilespmem:v5+s29+$0x0], $0xffff;
	v56 =	vmul.f32 v57, v15  }
0x99: {  	v30 =	vadd.f32 v51, v30;
	v7 =	vld.idx.msk [tilespmem:v7+s29+$0x0], $0xffff;
	v57 =	vmul.f32 v54, v15;
	v59 =	vmul.f32 v62, v24  }
0x9a: {  	p0 =	sne.s32 s30, $0x3F;
	v50 =	vld.idx.msk [tilespmem:v8+s29+$0x0], $0xffff;
	v22 =	vadd.f32 v0, v22;
	v38 =	vadd.f32 v55, v38;
	v24 =	vmul.f32 v58, v15  }
.Ltmp0:
0x9b: {  	v53 =	vld.idx.msk [tilespmem:v9+s29+$0x0], $0xffff;
	v60 =	vmul.f32 v4, v15;
	v29 =	vadd.f32 v59, v29;
	v59 =	vmul.f32 v3, v15;
	(pc) =	sbr.rel @p0 .LBB2_3-.Ltmp0, $4  }
0x9c: {  	v52 =	vld.idx.msk [tilespmem:v11+s29+$0x0], $0xffff;
	v37 =	vadd.f32 v56, v37;
	v36 =	vadd.f32 v57, v36;
	v58 =	vmul.f32 v2, v15  }
0x9d: {  	v51 =	vld.idx.msk [tilespmem:v13+s29+$0x0], $0xffff;
	v62 =	vlaneseq.u32;
	v35 =	vadd.f32 v60, v35;
	v34 =	vadd.f32 v59, v34  }
0x9e: {  	v54 =	vld.idx.msk [tilespmem:v16+s29+$0x0], $0xffff;
	v61 =	vadd.s32 s30, v62;
	v23 =	vadd.f32 v24, v23;
	v33 =	vadd.f32 v58, v33;
	v24 =	vmovc v15  }
0x9f: {  	v63 =	vmovc v17;
	v55 =	vld.idx.msk [tilespmem:v12+s29+$0x0], $0xffff;
	s30 =	sadd.s32 $0x1, s30;
	v58 =	vand.u32 $0x3F, v61;
	v56 =	vmul.f32 v5, v24;
	v57 =	vmul.f32 v7, v24  }
0xa0: {  	_ =	sdelay $0x3  }
0xa1: {  	v1 =	vld.idx.msk [tilespmem:v49+s29+$0x0], $0xffff  }
0xa2: {  	v3 =	vld.idx.msk [tilespmem:v48+s29+$0x0], $0xffff  }
0xa3: {  	v4 =	vld.idx.msk [tilespmem:v47+s29+$0x0], $0xffff  }
0xa4: {  	v6 =	vld.idx.msk [tilespmem:v46+s29+$0x0], $0xffff  }
0xa5: {  	v8 =	vld.idx.msk [tilespmem:v45+s29+$0x0], $0xffff  }
0xa6: {  	v12 =	vld [tilespmem:$0x1FFB0]  }
0xa7: {  	v13 =	vld [tilespmem:$0x1FED0]  }
0xa8: {  	v14 =	vld [tilespmem:$0x1FEE0]  }
0xa9: {  	v15 =	vld [tilespmem:$0x1FEF0]  }
0xaa: {  	v16 =	vld [tilespmem:$0x1FF00]  }
0xab: {  	v0 =	vor.u32 v39, v58;
	v59 =	vld [tilespmem:$0x1FF10]  }
0xac: {  	v2 =	vor.u32 v18, v58;
	v60 =	vld [tilespmem:$0x1FF20]  }
0xad: {  	v61 =	vld [tilespmem:$0x1FF30]  }
0xae: {  	v5 =	vor.u32 v63, v58;
	v48 =	vld [tilespmem:$0x1FF50]  }
0xaf: {  	v7 =	vor.u32 v21, v58;
	v49 =	vld [tilespmem:$0x1FF60]  }
0xb0: {  	v9 =	vor.u32 v19, v58;
	v10 =	vld.idx.msk [tilespmem:v0+s14+$0x0], $0xffff  }
0xb1: {  	v11 =	vor.u32 v20, v58;
	v2 =	vld.idx.msk [tilespmem:v2+s29+$0x0], $0xffff  }
0xb2: {  	v0 =	vld.idx.msk [tilespmem:v0+s15+$0x0], $0xffff  }
0xb3: {  	v5 =	vld.idx.msk [tilespmem:v5+s29+$0x0], $0xffff  }
0xb4: {  	v7 =	vld.idx.msk [tilespmem:v7+s29+$0x0], $0xffff  }
0xb5: {  	v12 =	vor.u32 v12, v58;
	v9 =	vld.idx.msk [tilespmem:v9+s29+$0x0], $0xffff  }
0xb6: {  	v11 =	vld.idx.msk [tilespmem:v11+s29+$0x0], $0xffff  }
0xb7: {  	v13 =	vor.u32 v13, v58;
	v39 =	vor.u32 v59, v58;
	v59 =	vld [tilespmem:$0x1FF70]  }
0xb8: {  	v14 =	vor.u32 v14, v58;
	v45 =	vor.u32 v60, v58;
	v60 =	vld [tilespmem:$0x1FF80]  }
0xb9: {  	v15 =	vor.u32 v15, v58;
	v46 =	vor.u32 v61, v58;
	v61 =	vld [tilespmem:$0x1FF90]  }
0xba: {  	v16 =	vor.u32 v16, v58;
	v12 =	vld.idx.msk [tilespmem:v12+s29+$0x0], $0xffff  }
0xbb: {  	[tilespmem:$0x1FEB0] =	vst v0;
	v0 =	vld [tilespmem:$0x1FF40]  }
0xbc: {  	v13 =	vld.idx.msk [tilespmem:v13+s29+$0x0], $0xffff  }
0xbd: {  	v14 =	vld.idx.msk [tilespmem:v14+s29+$0x0], $0xffff  }
0xbe: {  	v15 =	vld.idx.msk [tilespmem:v15+s29+$0x0], $0xffff  }
0xbf: {  	v48 =	vor.u32 v48, v58;
	v16 =	vld.idx.msk [tilespmem:v16+s29+$0x0], $0xffff  }
0xc0: {  	v49 =	vor.u32 v49, v58;
	v47 =	vor.u32 v0, v58;
	v0 =	vld [tilespmem:$0x1FFA0]  }
0xc1: {  	v39 =	vld.idx.msk [tilespmem:v39+s29+$0x0], $0xffff;
	v59 =	vor.u32 v59, v58  }
0xc2: {  	v50 =	vmul.f32 v50, v24;
	v53 =	vmul.f32 v53, v24;
	v45 =	vld.idx.msk [tilespmem:v45+s29+$0x0], $0xffff;
	v60 =	vor.u32 v60, v58  }
0xc3: {  	v32 =	vadd.f32 v56, v32;
	v43 =	vadd.f32 v57, v43;
	v52 =	vmul.f32 v52, v24;
	v46 =	vld.idx.msk [tilespmem:v46+s29+$0x0], $0xffff  }
0xc4: {  	v44 =	vadd.f32 v50, v44;
	v42 =	vadd.f32 v53, v42;
	v61 =	vor.u32 v61, v58;
	v48 =	vld.idx.msk [tilespmem:v48+s29+$0x0], $0xffff  }
0xc5: {  	v1 =	vmul.f32 v1, v24;
	v49 =	vld.idx.msk [tilespmem:v49+s29+$0x0], $0xffff;
	v5 =	vmul.f32 v5, v10;
	v58 =	vor.u32 v0, v58  }
0xc6: {  	v41 =	vadd.f32 v52, v41;
	v7 =	vmul.f32 v7, v10;
	v9 =	vmul.f32 v9, v10;
	v50 =	vld.idx.msk [tilespmem:v59+s29+$0x0], $0xffff  }
0xc7: {  	v1 =	vadd.f32 v1, v29;
	v11 =	vmul.f32 v11, v10;
	v5 =	vadd.f32 v5, v38;
	v53 =	vld.idx.msk [tilespmem:v60+s29+$0x0], $0xffff  }
0xc8: {  	v4 =	vmul.f32 v4, v24;
	v7 =	vadd.f32 v7, v37;
	v9 =	vadd.f32 v9, v36;
	v47 =	vld.idx.msk [tilespmem:v47+s29+$0x0], $0xffff  }
0xc9: {  	v11 =	vadd.f32 v11, v33;
	v33 =	vmul.f32 v14, v10;
	v0 =	vmul.f32 v55, v24;
	v55 =	vld.idx.msk [tilespmem:v61+s29+$0x0], $0xffff  }
0xca: {  	v36 =	vmul.f32 v39, v10;
	v39 =	vmul.f32 v45, v10;
	v57 =	vld.idx.msk [tilespmem:v58+s29+$0x0], $0xffff;
	[tilespmem:s26+$0x1CC00] =	vst v5  }
0xcb: {  	v4 =	vadd.f32 v4, v27;
	v60 =	vmul.f32 v13, v10;
	v45 =	vmul.f32 v48, v10;
	[tilespmem:s26+$0x1CE00] =	vst v7  }
0xcc: {  	v13 =	vadd.f32 v33, v32;
	v14 =	vadd.f32 v39, v41;
	v48 =	vmul.f32 v53, v10;
	[tilespmem:s26+$0x1D000] =	vst v9  }
0xcd: {  	v38 =	vadd.f32 v0, v40;
	v40 =	vmul.f32 v46, v10;
	v46 =	vmul.f32 v49, v10;
	[tilespmem:s26+$0x1D200] =	vst v11  }
0xce: {  	v4 =	vadd.f32 v48, v4;
	[tilespmem:s26+$0x1D800] =	vst v13  }
0xcf: {  	v61 =	vmul.f32 v54, v24;
	v54 =	vld [tilespmem:$0x1FEB0];
	v1 =	vadd.f32 v46, v1;
	[tilespmem:s26+$0x1E000] =	vst v14  }
0xd0: {  	v52 =	vmul.f32 v2, v10;
	v58 =	vmul.f32 v12, v10;
	v12 =	vadd.f32 v60, v35;
	[tilespmem:s26+$0x1EC00] =	vst v4  }
0xd1: {  	v6 =	vmul.f32 v6, v24;
	v13 =	vadd.f32 v40, v38;
	[tilespmem:s26+$0x1E800] =	vst v1  }
0xd2: {  	v1 =	vadd.f32 v52, v22;
	[tilespmem:s26+$0x1D600] =	vst v12  }
0xd3: {  	v6 =	vadd.f32 v6, v26;
	v49 =	vmul.f32 v55, v10;
	v5 =	vadd.f32 v58, v34;
	[tilespmem:s26+$0x1E200] =	vst v13  }
0xd4: {  	v0 =	vmul.f32 v54, v10;
	v12 =	vadd.f32 v36, v42;
	[tilespmem:s26+$0x1F200] =	vst v1  }
0xd5: {  	v59 =	vmul.f32 v51, v24;
	v34 =	vmul.f32 v15, v10;
	v53 =	vadd.f32 v49, v6;
	[tilespmem:s26+$0x1D400] =	vst v5  }
0xd6: {  	v3 =	vmul.f32 v3, v24;
	v35 =	vmul.f32 v16, v10;
	v0 =	vadd.f32 v0, v23;
	[tilespmem:s26+$0x1DE00] =	vst v12  }
0xd7: {  	v7 =	vadd.f32 v59, v31;
	v11 =	vadd.f32 v34, v43;
	v43 =	vmul.f32 v47, v10;
	[tilespmem:s26+$0x1EE00] =	vst v53  }
0xd8: {  	v8 =	vmul.f32 v8, v24;
	v5 =	vadd.f32 v35, v44;
	v44 =	vadd.f32 v61, v30;
	[tilespmem:s26+$0x1F400] =	vst v0  }
0xd9: {  	v3 =	vadd.f32 v3, v28;
	v47 =	vmul.f32 v50, v10;
	[tilespmem:s26+$0x1DA00] =	vst v11;
	v7 =	vadd.f32 v43, v7  }
0xda: {  	p0 =	seq.s32 s24, $0xF;
	v50 =	vadd.f32 v8, v25;
	v51 =	vmul.f32 v57, v10;
	[tilespmem:s26+$0x1DC00] =	vst v5;
	v5 =	vadd.f32 v45, v44  }
0xdb: {  	s30 =	smul.u32 @!p0 $0xA00, s24;
	v3 =	vadd.f32 v47, v3;
	[tilespmem:s26+$0x1E400] =	vst v7  }
0xdc: {  	v55 =	vadd.f32 v51, v50;
	[tilespmem:s26+$0x1E600] =	vst v5  }
0xdd: {  	s30 =	sshra.s32 @!p0 s30, $0x2;
	[tilespmem:s26+$0x1EA00] =	vst v3  }
0xde: {  	s31 =	simm.s32 @!p0 $0x80;
	s1 =	simm.s32 @!p0 $0x12C00;
	[tilespmem:s26+$0x1F000] =	vst v55;
	s26 =	sadd.s32 @!p0 $0x680, s30  }
0xdf: {  	[tilespmem:s1], [sflag:$0x2] =	stream.indirect.gather @!p0 [hbm4b:s4+s31], $0x40, s26, s31, $0xb8;
	[tilespmem:$0x1F600] =	vst v63  }
0xe0: {  	s1 =	sadd.s32 @!p0 $0x700, s30;
	s26 =	simm.s32 @!p0 $0x14C00  }
0xe1: {  	[tilespmem:s26], [sflag:$0x2] =	stream.indirect.gather @!p0 [hbm4b:s4+s31], $0x40, s1, s31, $0xb8;
	[tilespmem:$0x1F600] =	vst v63  }
0xe2: {  	s1 =	sadd.s32 @!p0 $0x780, s30;
	s26 =	simm.s32 @!p0 $0x40;
	s30 =	simm.s32 @!p0 $0x16C00  }
0xe3: {  	[tilespmem:s30], [sflag:$0x2] =	stream.indirect.gather @!p0 [hbm4b:s4+s26], $0x40, s1, s26, $0xb8;
	[tilespmem:$0x1F600] =	vst v63  }
0xe4: {  	_ =	swait.ge [sflag:s21], $0x2000  }
0xe5: {  	[sflag:s21] =	ssyncset.done $0x0  }
0xe6: {  	[sflag:s21] =	ssyncadd.s32 $0xFFFFE000  }
0xe7: {  	_ =	swait.ge [sflag:s21], $0x2000  }
0xe8: {  	[sflag:s21] =	ssyncset.done $0x0  }
0xe9: {  	v58 =	vld [tilespmem:$0x1FEC0];
	[sflag:s21] =	ssyncadd.s32 $0xFFFFE000  }
0xea: {  	v60 =	vld [tilespmem:$0x1FFD0];
	_ =	swait.ge [sflag:s21], $0x1000  }
0xeb: {  	v12 =	vld [tilespmem:$0x1FFC0]  }
0xec: {  	v13 =	vld [tilespmem:$0x1FFE0]  }
0xed: {  	v14 =	vld [tilespmem:$0x1FFF0]  }
0xee: {  	v32 =	vld [tilespmem:$0x1FFB0]  }
0xef: {  	v33 =	vld [tilespmem:$0x1FED0]  }
0xf0: {  	v34 =	vld [tilespmem:$0x1FEE0]  }
0xf1: {  	v35 =	vld [tilespmem:$0x1FEF0]  }
0xf2: {  	s30 =	simm.s32 $0x0;
	v36 =	vld [tilespmem:$0x1FF00]  }
0xf3: {  	s25 =	sshll.u32 s25, $0x4;
	v57 =	vadd.s32 s30, v62;
	v22 =	vld [tilespmem:$0x1FF60]  }
0xf4: {  	v56 =	vmov s25;
	v59 =	vand.u32 $0x3F, v57;
	v37 =	vld [tilespmem:$0x1FF10]  }
0xf5: {  	v0 =	vshll.u32 v56, $0x6;
	v61 =	vor.u32 v63, v59;
	v38 =	vld [tilespmem:$0x1FF20]  }
0xf6: {  	v40 =	vld [tilespmem:$0x1FF30];
	v39 =	vor.u32 v58, v0;
	v2 =	vor.u32 v60, v59  }
0xf7: {  	v15 =	vld [tilespmem:$0x1FF40];
	v1 =	vor.u32 v39, v59  }
0xf8: {  	[sflag:s21] =	ssyncset.done $0x0;
	v49 =	vor.u32 v22, v59;
	v22 =	vld [tilespmem:$0x1FF70]  }
0xf9: {  	v16 =	vld [tilespmem:$0x1FF50];
	[sflag:s21] =	ssyncadd.s32 $0xFFFFF000  }
0xfa: {  	v3 =	vld.idx.msk [tilespmem:v61+s17+$0x0], $0xffff;
	v4 =	vor.u32 v12, v59  }
0xfb: {  	v5 =	vor.u32 v13, v59;
	v2 =	vld.idx.msk [tilespmem:v2+s17+$0x0], $0xffff  }
0xfc: {  	v7 =	vor.u32 v32, v59;
	v24 =	vld.idx.msk [tilespmem:v1+s14+$0x0], $0xffff  }
0xfd: {  	v48 =	vor.u32 v22, v59;
	v22 =	vld [tilespmem:$0x1FF80]  }
0xfe: {  	v8 =	vor.u32 v33, v59;
	v1 =	vld.idx.msk [tilespmem:v1+s15+$0x0], $0xffff  }
0xff: {  	v9 =	vor.u32 v34, v59;
	v4 =	vld.idx.msk [tilespmem:v4+s17+$0x0], $0xffff  }
0x100: {  	v29 =	vimm.f32 $0.0e+00;
	v10 =	vor.u32 v35, v59;
	v5 =	vld.idx.msk [tilespmem:v5+s17+$0x0], $0xffff  }
0x101: {  	v28 =	vimm.f32 $0.0e+00;
	v27 =	vimm.f32 $0.0e+00;
	v6 =	vor.u32 v14, v59;
	v7 =	vld.idx.msk [tilespmem:v7+s17+$0x0], $0xffff  }
0x102: {  	v26 =	vimm.f32 $0.0e+00;
	v31 =	vimm.f32 $0.0e+00;
	s31 =	simm.s32 $0x1;
	v47 =	vor.u32 v22, v59;
	v22 =	vld [tilespmem:$0x1FF90]  }
0x103: {  	v30 =	vimm.f32 $0.0e+00;
	v25 =	vimm.f32 $0.0e+00;
	v62 =	vadd.s32 s31, v62;
	v8 =	vld.idx.msk [tilespmem:v8+s17+$0x0], $0xffff  }
0x104: {  	v32 =	vimm.f32 $0.0e+00;
	v11 =	vor.u32 v36, v59;
	v12 =	vor.u32 v37, v59;
	v42 =	vld.idx.msk [tilespmem:v9+s17+$0x0], $0xffff  }
0x105: {  	v13 =	vor.u32 v38, v59;
	v14 =	vor.u32 v40, v59;
	v15 =	vor.u32 v15, v59;
	v44 =	vld.idx.msk [tilespmem:v10+s17+$0x0], $0xffff  }
0x106: {  	v16 =	vor.u32 v16, v59;
	v40 =	vimm.f32 $0.0e+00;
	v6 =	vld.idx.msk [tilespmem:v6+s17+$0x0], $0xffff;
	v41 =	vmul.f32 v1, v24  }
0x107: {  	v2 =	vmul.f32 v2, v24;
	v3 =	vmul.f32 v3, v24;
	v46 =	vor.u32 v22, v59;
	v22 =	vld [tilespmem:$0x1FFA0]  }
0x108: {  	v43 =	vmul.f32 v4, v24;
	v23 =	vadd.f32 v41, v32;
	v58 =	vmul.f32 v5, v24  }
0x109: {  	v50 =	vld.idx.msk [tilespmem:v11+s17+$0x0], $0xffff;
	v38 =	vadd.f32 v3, v32;
	v60 =	vmul.f32 v7, v24;
	v61 =	vmul.f32 v8, v24  }
0x10a: {  	v53 =	vld.idx.msk [tilespmem:v12+s17+$0x0], $0xffff;
	v56 =	vmul.f32 v42, v24;
	v57 =	vmul.f32 v44, v24;
	v44 =	vimm.f32 $0.0e+00  }
0x10b: {  	v52 =	vld.idx.msk [tilespmem:v13+s17+$0x0], $0xffff;
	v42 =	vimm.f32 $0.0e+00;
	v41 =	vimm.f32 $0.0e+00;
	v37 =	vadd.f32 v43, v32  }
0x10c: {  	v55 =	vld.idx.msk [tilespmem:v14+s17+$0x0], $0xffff;
	v36 =	vadd.f32 v58, v32;
	v45 =	vor.u32 v22, v59;
	v59 =	vmul.f32 v6, v24  }
0x10d: {  	v51 =	vld.idx.msk [tilespmem:v15+s17+$0x0], $0xffff;
	v34 =	vadd.f32 v60, v32;
	v58 =	vand.u32 $0x3F, v62;
	v35 =	vadd.f32 v61, v32  }
0x10e: {  	s26 =	simm.s32 $0x2;
	v54 =	vld.idx.msk [tilespmem:v16+s17+$0x0], $0xffff;
	v43 =	vimm.f32 $0.0e+00;
	v22 =	vadd.f32 v2, v32;
	v33 =	vadd.f32 v59, v32  }
.LBB2_5:
0x10f: {  	v3 =	vld.idx.msk [tilespmem:v49+s17+$0x0], $0xffff  }
0x110: {  	v7 =	vld.idx.msk [tilespmem:v48+s17+$0x0], $0xffff  }
0x111: {  	v8 =	vld [tilespmem:$0x1FFB0]  }
0x112: {  	v9 =	vld [tilespmem:$0x1FED0]  }
0x113: {  	v10 =	vld [tilespmem:$0x1FEE0]  }
0x114: {  	v11 =	vld.idx.msk [tilespmem:v47+s17+$0x0], $0xffff  }
0x115: {  	v12 =	vld [tilespmem:$0x1FEF0]  }
0x116: {  	v13 =	vld [tilespmem:$0x1FF00]  }
0x117: {  	v14 =	vld [tilespmem:$0x1FF10]  }
0x118: {  	v15 =	vld.idx.msk [tilespmem:v46+s17+$0x0], $0xffff  }
0x119: {  	v62 =	vld [tilespmem:$0x1FF30]  }
0x11a: {  	v1 =	vor.u32 v63, v58;
	v63 =	vld [tilespmem:$0x1FF40]  }
0x11b: {  	v0 =	vor.u32 v39, v58;
	v61 =	vld.idx.msk [tilespmem:v45+s17+$0x0], $0xffff  }
0x11c: {  	v48 =	vld [tilespmem:$0x1FF50]  }
0x11d: {  	v45 =	vld [tilespmem:$0x1FF80]  }
0x11e: {  	v2 =	vor.u32 v21, v58;
	v6 =	vor.u32 v18, v58;
	v16 =	vld [tilespmem:$0x1FF20]  }
0x11f: {  	v4 =	vor.u32 v19, v58;
	v5 =	vor.u32 v20, v58;
	v49 =	vld [tilespmem:$0x1FF60];
	v32 =	vadd.f32 v56, v32  }
0x120: {  	v43 =	vadd.f32 v57, v43;
	v50 =	vmul.f32 v50, v24;
	v59 =	vor.u32 v62, v58;
	v62 =	vld.idx.msk [tilespmem:v0+s14+$0x0], $0xffff  }
0x121: {  	v53 =	vmul.f32 v53, v24;
	v60 =	vor.u32 v63, v58;
	v63 =	vor.u32 v48, v58;
	v48 =	vld [tilespmem:$0x1FF70]  }
0x122: {  	v52 =	vmul.f32 v52, v24;
	v55 =	vmul.f32 v55, v24;
	v47 =	vor.u32 v45, v58;
	v45 =	vld [tilespmem:$0x1FF90]  }
0x123: {  	v44 =	vadd.f32 v50, v44;
	v57 =	vmul.f32 v51, v24;
	v42 =	vadd.f32 v53, v42;
	v6 =	vld.idx.msk [tilespmem:v6+s17+$0x0], $0xffff  }
0x124: {  	v8 =	vor.u32 v8, v58;
	v9 =	vor.u32 v9, v58;
	v10 =	vor.u32 v10, v58;
	v0 =	vld.idx.msk [tilespmem:v0+s15+$0x0], $0xffff  }
0x125: {  	v12 =	vor.u32 v12, v58;
	v13 =	vor.u32 v13, v58;
	v14 =	vor.u32 v14, v58;
	v1 =	vld.idx.msk [tilespmem:v1+s17+$0x0], $0xffff  }
0x126: {  	v16 =	vor.u32 v16, v58;
	v4 =	vld.idx.msk [tilespmem:v4+s17+$0x0], $0xffff;
	v3 =	vmul.f32 v3, v24;
	v7 =	vmul.f32 v7, v24  }
0x127: {  	v5 =	vld.idx.msk [tilespmem:v5+s17+$0x0], $0xffff;
	v11 =	vmul.f32 v11, v24;
	v15 =	vmul.f32 v15, v24;
	v41 =	vadd.f32 v52, v41  }
0x128: {  	v40 =	vadd.f32 v55, v40;
	v31 =	vadd.f32 v57, v31;
	v46 =	vor.u32 v45, v58;
	v45 =	vld [tilespmem:$0x1FFA0]  }
0x129: {  	v49 =	vor.u32 v49, v58;
	v2 =	vld.idx.msk [tilespmem:v2+s17+$0x0], $0xffff;
	v29 =	vadd.f32 v3, v29;
	v28 =	vadd.f32 v7, v28  }
0x12a: {  	v27 =	vadd.f32 v11, v27;
	v26 =	vadd.f32 v15, v26;
	v8 =	vld.idx.msk [tilespmem:v8+s17+$0x0], $0xffff;
	v6 =	vmul.f32 v6, v62  }
0x12b: {  	v48 =	vor.u32 v48, v58;
	v0 =	vmul.f32 v0, v62;
	v9 =	vld.idx.msk [tilespmem:v9+s17+$0x0], $0xffff;
	v1 =	vmul.f32 v1, v62  }
0x12c: {  	v7 =	vmul.f32 v4, v62;
	v22 =	vadd.f32 v6, v22;
	v6 =	vld.idx.msk [tilespmem:v12+s17+$0x0], $0xffff;
	v12 =	vmul.f32 v5, v62  }
0x12d: {  	v10 =	vld.idx.msk [tilespmem:v10+s17+$0x0], $0xffff;
	v45 =	vor.u32 v45, v58;
	v58 =	vmul.f32 v54, v24;
	v24 =	vmul.f32 v61, v24  }
0x12e: {  	p0 =	sne.s32 s26, $0x3F;
	v50 =	vld.idx.msk [tilespmem:v13+s17+$0x0], $0xffff;
	v23 =	vadd.f32 v0, v23;
	v38 =	vadd.f32 v1, v38  }
.Ltmp1:
0x12f: {  	v53 =	vld.idx.msk [tilespmem:v14+s17+$0x0], $0xffff;
	v36 =	vadd.f32 v7, v36;
	v33 =	vadd.f32 v12, v33;
	v61 =	vmul.f32 v2, v62;
	(pc) =	sbr.rel @p0 .LBB2_5-.Ltmp1, $4  }
0x130: {  	v52 =	vld.idx.msk [tilespmem:v16+s17+$0x0], $0xffff;
	v13 =	vmul.f32 v8, v62;
	v14 =	vmul.f32 v9, v62;
	v30 =	vadd.f32 v58, v30  }
0x131: {  	v55 =	vld.idx.msk [tilespmem:v59+s17+$0x0], $0xffff;
	v37 =	vadd.f32 v61, v37;
	v25 =	vadd.f32 v24, v25;
	v24 =	vmovc v62;
	v62 =	vlaneseq.u32  }
0x132: {  	v51 =	vld.idx.msk [tilespmem:v60+s17+$0x0], $0xffff;
	v34 =	vadd.f32 v13, v34;
	v35 =	vadd.f32 v14, v35;
	v61 =	vadd.s32 s26, v62  }
0x133: {  	v54 =	vld.idx.msk [tilespmem:v63+s17+$0x0], $0xffff;
	v63 =	vmovc v17;
	v56 =	vmul.f32 v10, v24;
	s26 =	sadd.s32 $0x1, s26;
	v57 =	vmul.f32 v6, v24;
	v58 =	vand.u32 $0x3F, v61  }
0x134: {  	v17 =	vld [tilespmem:$0x1FF10];
	_ =	sdelay $0x4  }
0x135: {  	v60 =	vor.u32 v17, v58;
	v17 =	vld [tilespmem:$0x1FF20];
	_ =	sdelay $0x4  }
0x136: {  	v61 =	vor.u32 v17, v58;
	v17 =	vld [tilespmem:$0x1FF30];
	_ =	sdelay $0x1  }
0x137: {  	v1 =	vld.idx.msk [tilespmem:v49+s17+$0x0], $0xffff  }
0x138: {  	v3 =	vld.idx.msk [tilespmem:v48+s17+$0x0], $0xffff  }
0x139: {  	v6 =	vld.idx.msk [tilespmem:v46+s17+$0x0], $0xffff  }
0x13a: {  	v46 =	vor.u32 v17, v58;
	v17 =	vld [tilespmem:$0x1FF40]  }
0x13b: {  	v4 =	vld.idx.msk [tilespmem:v47+s17+$0x0], $0xffff  }
0x13c: {  	v8 =	vld.idx.msk [tilespmem:v45+s17+$0x0], $0xffff  }
0x13d: {  	v7 =	vor.u32 v21, v58;
	v21 =	vld [tilespmem:$0x1FFB0]  }
0x13e: {  	v13 =	vld [tilespmem:$0x1FED0]  }
0x13f: {  	v47 =	vor.u32 v17, v58;
	v17 =	vld [tilespmem:$0x1FF50]  }
0x140: {  	v0 =	vor.u32 v39, v58;
	v14 =	vld [tilespmem:$0x1FEE0]  }
0x141: {  	v2 =	vor.u32 v18, v58;
	v15 =	vld [tilespmem:$0x1FEF0]  }
0x142: {  	v16 =	vld [tilespmem:$0x1FF00]  }
0x143: {  	v5 =	vor.u32 v63, v58;
	v18 =	vld [tilespmem:$0x1FF90]  }
0x144: {  	v48 =	vor.u32 v17, v58;
	v17 =	vld [tilespmem:$0x1FF60]  }
0x145: {  	v10 =	vld.idx.msk [tilespmem:v0+s14+$0x0], $0xffff  }
0x146: {  	v9 =	vor.u32 v19, v58;
	v2 =	vld.idx.msk [tilespmem:v2+s17+$0x0], $0xffff  }
0x147: {  	v11 =	vor.u32 v20, v58;
	v0 =	vld.idx.msk [tilespmem:v0+s15+$0x0], $0xffff  }
0x148: {  	v12 =	vor.u32 v21, v58;
	v5 =	vld.idx.msk [tilespmem:v5+s17+$0x0], $0xffff  }
0x149: {  	v49 =	vor.u32 v17, v58;
	v17 =	vld [tilespmem:$0x1FF70]  }
0x14a: {  	v13 =	vor.u32 v13, v58;
	v7 =	vld.idx.msk [tilespmem:v7+s17+$0x0], $0xffff  }
0x14b: {  	v14 =	vor.u32 v14, v58;
	v9 =	vld.idx.msk [tilespmem:v9+s17+$0x0], $0xffff  }
0x14c: {  	v15 =	vor.u32 v15, v58;
	v11 =	vld.idx.msk [tilespmem:v11+s17+$0x0], $0xffff  }
0x14d: {  	v12 =	vld.idx.msk [tilespmem:v12+s17+$0x0], $0xffff  }
0x14e: {  	v59 =	vor.u32 v17, v58;
	v17 =	vld [tilespmem:$0x1FF80]  }
0x14f: {  	v16 =	vor.u32 v16, v58;
	v13 =	vld.idx.msk [tilespmem:v13+s17+$0x0], $0xffff  }
0x150: {  	v14 =	vld.idx.msk [tilespmem:v14+s17+$0x0], $0xffff  }
0x151: {  	v15 =	vld.idx.msk [tilespmem:v15+s17+$0x0], $0xffff  }
0x152: {  	v39 =	vld.idx.msk [tilespmem:v60+s17+$0x0], $0xffff  }
0x153: {  	v60 =	vor.u32 v17, v58;
	v17 =	vld [tilespmem:$0x1FFA0]  }
0x154: {  	v16 =	vld.idx.msk [tilespmem:v16+s17+$0x0], $0xffff  }
0x155: {  	v45 =	vld.idx.msk [tilespmem:v61+s17+$0x0], $0xffff  }
0x156: {  	v46 =	vld.idx.msk [tilespmem:v46+s17+$0x0], $0xffff  }
0x157: {  	v61 =	vor.u32 v18, v58;
	v47 =	vld.idx.msk [tilespmem:v47+s17+$0x0], $0xffff  }
0x158: {  	v50 =	vmul.f32 v50, v24;
	v48 =	vld.idx.msk [tilespmem:v48+s17+$0x0], $0xffff;
	v58 =	vor.u32 v17, v58  }
0x159: {  	v5 =	vmul.f32 v5, v10;
	v49 =	vld.idx.msk [tilespmem:v49+s17+$0x0], $0xffff  }
0x15a: {  	v53 =	vmul.f32 v53, v24;
	v44 =	vadd.f32 v50, v44;
	v7 =	vmul.f32 v7, v10;
	v50 =	vld.idx.msk [tilespmem:v59+s17+$0x0], $0xffff  }
0x15b: {  	v43 =	vadd.f32 v57, v43;
	v11 =	vmul.f32 v11, v10;
	v5 =	vadd.f32 v5, v38;
	v57 =	vld.idx.msk [tilespmem:v60+s17+$0x0], $0xffff  }
0x15c: {  	v32 =	vadd.f32 v56, v32;
	v9 =	vmul.f32 v9, v10;
	v7 =	vadd.f32 v7, v37;
	v60 =	vld.idx.msk [tilespmem:v61+s17+$0x0], $0xffff  }
0x15d: {  	v11 =	vadd.f32 v11, v33;
	v61 =	vld.idx.msk [tilespmem:v58+s17+$0x0], $0xffff;
	[tilespmem:s25+$0x1CC00] =	vst v5;
	v5 =	vmul.f32 v12, v10  }
0x15e: {  	v42 =	vadd.f32 v53, v42;
	v9 =	vadd.f32 v9, v36;
	[tilespmem:s25+$0x1CE00] =	vst v7;
	v12 =	vmul.f32 v13, v10  }
0x15f: {  	v1 =	vmul.f32 v1, v24;
	[tilespmem:s25+$0x1D200] =	vst v11;
	v11 =	vmul.f32 v15, v10;
	v5 =	vadd.f32 v5, v34  }
0x160: {  	v3 =	vmul.f32 v3, v24;
	v2 =	vmul.f32 v2, v10;
	[tilespmem:s25+$0x1D000] =	vst v9;
	v12 =	vadd.f32 v12, v35  }
0x161: {  	v59 =	vmul.f32 v55, v24;
	v11 =	vadd.f32 v11, v43;
	[tilespmem:s25+$0x1D400] =	vst v5;
	v5 =	vmul.f32 v16, v10  }
0x162: {  	v4 =	vmul.f32 v4, v24;
	v2 =	vadd.f32 v2, v22;
	[tilespmem:s25+$0x1D600] =	vst v12;
	v12 =	vmul.f32 v39, v10  }
0x163: {  	v38 =	vadd.f32 v59, v40;
	[tilespmem:s25+$0x1DA00] =	vst v11;
	v11 =	vmul.f32 v46, v10;
	v5 =	vadd.f32 v5, v44  }
0x164: {  	v6 =	vmul.f32 v6, v24;
	v7 =	vmul.f32 v51, v24;
	[tilespmem:s25+$0x1F200] =	vst v2;
	v12 =	vadd.f32 v12, v42  }
0x165: {  	v1 =	vadd.f32 v1, v29;
	v9 =	vmul.f32 v54, v24;
	v11 =	vadd.f32 v11, v38;
	[tilespmem:s25+$0x1DC00] =	vst v5  }
0x166: {  	v3 =	vadd.f32 v3, v28;
	v2 =	vld [tilespmem:$0x1FEE0];
	v7 =	vadd.f32 v7, v31;
	v5 =	vmul.f32 v47, v10;
	[tilespmem:s25+$0x1DE00] =	vst v12  }
0x167: {  	v15 =	vld [tilespmem:$0x1FFD0];
	v9 =	vadd.f32 v9, v30;
	v12 =	vmul.f32 v48, v10;
	[tilespmem:s25+$0x1E200] =	vst v11;
	v11 =	vmul.f32 v50, v10  }
0x168: {  	v4 =	vadd.f32 v4, v27;
	v0 =	vmul.f32 v0, v10;
	v16 =	vld [tilespmem:$0x1FF80];
	v5 =	vadd.f32 v5, v7  }
0x169: {  	v7 =	vmul.f32 v49, v10;
	v9 =	vadd.f32 v12, v9;
	v3 =	vadd.f32 v11, v3;
	v12 =	vld [tilespmem:$0x1FFC0]  }
0x16a: {  	v6 =	vadd.f32 v6, v26;
	v0 =	vadd.f32 v0, v23;
	v13 =	vmul.f32 v14, v10;
	v11 =	vld [tilespmem:$0x1FF70];
	[tilespmem:s25+$0x1E400] =	vst v5  }
0x16b: {  	v1 =	vadd.f32 v7, v1;
	v5 =	vmul.f32 v57, v10;
	v7 =	vmul.f32 v60, v10;
	[tilespmem:s25+$0x1EA00] =	vst v3;
	v3 =	vld [tilespmem:$0x1FEF0]  }
0x16c: {  	v52 =	vmul.f32 v52, v24;
	v13 =	vadd.f32 v13, v32;
	[tilespmem:s25+$0x1E600] =	vst v9;
	v9 =	vld [tilespmem:$0x1FF50]  }
0x16d: {  	s24 =	sadd.s32 $0x1, s24;
	v8 =	vmul.f32 v8, v24;
	[tilespmem:s25+$0x1F400] =	vst v0;
	v4 =	vadd.f32 v5, v4;
	v5 =	vadd.f32 v7, v6;
	v6 =	vld [tilespmem:$0x1FF20]  }
0x16e: {  	p0 =	sne.s32 s24, $0x10;
	v41 =	vadd.f32 v52, v41;
	[tilespmem:s25+$0x1D800] =	vst v13;
	v13 =	vmul.f32 v45, v10;
	v7 =	vld [tilespmem:$0x1FF30]  }
.Ltmp2:
0x16f: {  	v8 =	vadd.f32 v8, v25;
	[tilespmem:s25+$0x1E800] =	vst v1;
	v1 =	vmul.f32 v61, v10;
	v10 =	vld [tilespmem:$0x1FF60];
	(pc) =	sbr.rel @p0 .LBB2_2-.Ltmp2, $4  }
0x170: {  	v13 =	vadd.f32 v13, v41;
	[tilespmem:s25+$0x1EC00] =	vst v4;
	v4 =	vld [tilespmem:$0x1FF00]  }
0x171: {  	v1 =	vadd.f32 v1, v8;
	[tilespmem:s25+$0x1EE00] =	vst v5;
	v5 =	vld [tilespmem:$0x1FF10]  }
0x172: {  	[tilespmem:s25+$0x1E000] =	vst v13;
	v8 =	vld [tilespmem:$0x1FF40]  }
0x173: {  	[tilespmem:s25+$0x1F000] =	vst v1;
	v1 =	vld [tilespmem:$0x1FED0]  }
0x174: {  	s23 =	sadd.s32 $0x1, s23  }
0x175: {  	p0 =	sne.s32 s23, s9  }
.Ltmp3:
0x176: {  	_ = 	snop;
	(pc) =	sbr.rel @p0 .LBB2_1-.Ltmp3, $4  }
0x177: {  	[hbm4b:s8+s2] =	stream.linear.scatter [tilespmem:s22], [sflag:$0x4], $0x2A00, $0x38;
	[tilespmem:$0x1F600] =	vst v63  }
0x178: {  	_ =	swait.ge [sflag:s10], $0x2A00  }
0x179: {  	[sflag:s10] =	ssyncset.done $0x0  }
0x17a: {  	[sflag:s10] =	ssyncadd.s32 $0xFFFFD600  }
0x17b: {  	_ =	sfence.sel $0x180000  }
0x17c: {  	[bflag:$0x0] =	sbarrier.arrive $0xFFFF  }
0x17d: {  	_ =	strace $0x90000047  }
0x17e: {  	s0 =	stileid.u32;
	[bflag:$0x2] =	sbarrier.arrive $0xFFFF  }
0x17f: {  	p0 =	sne.s32 s0, $0x0;
	s0 =	rddreg [dreg:$0x3]  }
0x180: {  	s0 =	sadd.s32 @!p0 $0x100000, s0  }
0x181: {  	[sflag:s0] =	ssyncadd.tile.s32 @!p0 $0x1;
	_ =	shalt  }
.Lfunc_end2:
_tile_overlayer_lowered:
.L_overlay_start_2:
0x182: {  	(tag) =	ssettag $0x2  }
0x183: {  	s0 =	rddreg [dreg:$0x0];
	s2 =	stileid.u32  }
0x184: {  	s1 =	rddreg [dreg:$0x1];
	p0 =	sne.s32 s2, $0x0  }
0x185: {  	s3 =	rddreg [dreg:$0x2];
	[bflag:$0x3] =	sbarrier.arrive $0xFFFF;
	s2 =	simm.s32 @!p0 $0x1C04  }
0x186: {  	[timem:s3], [sflag:s2] =	dma.local @!p0 [hbm:s0], s1  }
0x187: {  	s0 =	simm.s32 @!p0 $0x4  }
0x188: {  	_ =	swait.ge @!p0 [sflag:s0], s1  }
0x189: {  	s1 =	ssub.s32 @!p0 $0x0, s1;
	[sflag:s0] =	ssyncset.done @!p0 $0x0  }
0x18a: {  	[sflag:s0] =	ssyncadd.s32 @!p0 s1  }
0x18b: {  	[bflag:$0x3] =	sbarrier.arrive $0xFFFF  }
0x18c: {  	_ =	shalt  }

</sc_bundles>
